<compile_context>
chip_gen: v7x
topology: tpu7x:2x2x1
jax: 0.10.2.dev20260603
libtpu: 0.0.44.dev20260713+nightly
codegen_flags: <defaults>
</compile_context>

<pallas_src>
import functools

import jax
import jax.numpy as jnp
from jax import lax
from jax.experimental import pallas as pl
from jax.experimental.pallas import tpu as pltpu
from jax.experimental.pallas import tpu_sc as plsc

VOCAB = 1000000
EMBED = 64
BATCH = 16384

NUM_CORES = 2
NUM_SUBCORES = 16
LANES = 16
NW = NUM_CORES * NUM_SUBCORES
BPW = BATCH // NW
CH = 128
NCHUNK = BPW // CH

_mesh = plsc.VectorSubcoreMesh(core_axis_name="c", subcore_axis_name="s")


@functools.partial(
    pl.kernel,
    mesh=_mesh,
    out_type=jax.ShapeDtypeStruct((BATCH,), jnp.float32),
    scratch_types=[
        pltpu.VMEM((BPW,), jnp.int32),
        pltpu.VMEM((BPW,), jnp.int32),
        pltpu.VMEM((2, CH * EMBED), jnp.float32),
        pltpu.VMEM((2, CH * EMBED), jnp.float32),
        pltpu.VMEM((BPW + LANES,), jnp.float32),
        pltpu.SemaphoreType.DMA,
        pltpu.SemaphoreType.DMA,
    ],
    compiler_params=pltpu.CompilerParams(needs_layout_passes=False),
)
def _w2v_sc(center_hbm, context_hbm, in_emb_hbm, out_emb_hbm, out_hbm,
            cidx_v, xidx_v, arows_v, brows_v, out_v, sem0, sem1):
    wid = lax.axis_index("s") * NUM_CORES + lax.axis_index("c")
    base = wid * BPW

    pltpu.sync_copy(center_hbm.at[pl.ds(base, BPW)], cidx_v)
    pltpu.sync_copy(context_hbm.at[pl.ds(base, BPW)], xidx_v)

    last_lane = lax.iota(jnp.int32, LANES) == (LANES - 1)

    def issue_chunk(c):
        def issue_group(g, _):
            r0 = c * CH + g * LANES
            av = cidx_v[pl.ds(r0, LANES)]
            bv = xidx_v[pl.ds(r0, LANES)]
            for k in range(LANES):
                i = g * LANES + k
                pltpu.async_copy(in_emb_hbm.at[av[k]],
                                 arows_v.at[0, pl.ds(i * EMBED, EMBED)], sem0)
                pltpu.async_copy(out_emb_hbm.at[bv[k]],
                                 brows_v.at[0, pl.ds(i * EMBED, EMBED)], sem1)
            return 0

        lax.fori_loop(0, CH // LANES, issue_group, 0)

    def drain_chunk():
        def drain_row(i, _):
            pltpu.make_async_copy(in_emb_hbm.at[0],
                                  arows_v.at[0, pl.ds(i * EMBED, EMBED)],
                                  sem0).wait()
            pltpu.make_async_copy(out_emb_hbm.at[0],
                                  brows_v.at[0, pl.ds(i * EMBED, EMBED)],
                                  sem1).wait()
            return 0

        lax.fori_loop(0, CH, drain_row, 0, unroll=2)

    def compute_chunk(c):
        def row_body(i, _):
            acc = jnp.zeros((LANES,), jnp.float32)
            for j in range(EMBED // LANES):
                a = arows_v[0, pl.ds(i * EMBED + j * LANES, LANES)]
                b = brows_v[0, pl.ds(i * EMBED + j * LANES, LANES)]
                acc = acc + a * b
            plsc.store_compressed(out_v.at[pl.ds(c * CH + i, LANES)],
                                  plsc.cumsum(acc), mask=last_lane)
            return 0

        lax.fori_loop(0, CH, row_body, 0, unroll=4)

    def loop_body(c, _):
        issue_chunk(c)
        drain_chunk()
        compute_chunk(c)
        return 0

    lax.fori_loop(0, NCHUNK, loop_body, 0)

    pltpu.sync_copy(out_v.at[pl.ds(0, BPW)], out_hbm.at[pl.ds(base, BPW)])


def kernel(center_idx, context_idx, in_embedding, out_embedding):
    return _w2v_sc(center_idx.astype(jnp.int32), context_idx.astype(jnp.int32),
                   in_embedding, out_embedding)

# --- scband reference (transcript-rebuilt; emitter-appended) ---
"""Pipeline reference for scband-word2-vec-2860448219683 (READ-ONLY COPY).

The authoritative reference and input builder live on the scoring server;
editing this copy changes nothing except your own understanding.
"""

import jax, jax.numpy as jnp
import numpy as np

VOCAB = 1000000
EMBED = 64
BATCH = 16384

def setup_inputs(seed: int = 0) -> dict:
    key = jax.random.key(seed)
    k1, k2, k3, k4 = jax.random.split(key, 4)
    center_idx = jax.random.randint(k1, (BATCH,), 0, VOCAB, dtype=jnp.int64 if jax.config.jax_enable_x64 else jnp.int32)
    context_idx = jax.random.randint(k2, (BATCH,), 0, VOCAB, dtype=jnp.int64 if jax.config.jax_enable_x64 else jnp.int32)
    in_embedding = jax.random.normal(k3, (VOCAB, EMBED), dtype=jnp.float32) * 0.02
    out_embedding = jax.random.normal(k4, (VOCAB, EMBED), dtype=jnp.float32) * 0.02
    return {"center_idx": center_idx, "context_idx": context_idx, "in_embedding": in_embedding, "out_embedding": out_embedding}

def reference(center_idx, context_idx, in_embedding, out_embedding):
    center_embed = jnp.take(in_embedding, center_idx, axis=0)
    context_embed = jnp.take(out_embedding, context_idx, axis=0)
    scores = jnp.sum(center_embed * context_embed, axis=-1)
    return scores

if __name__ == "__main__":
    import jax
    _d = setup_inputs()
    print(jax.jit(kernel)(*tuple(_d.values())))

</pallas_src>

<mosaic_0001>
#map = affine_map<(d0, d1) -> (0)>
#map1 = affine_map<(d0, d1) -> (0, 0)>
module attributes {stable_mosaic.version = 14 : i64} {
  func.func @_w2v_sc(%arg0: i32, %arg1: i32, %arg2: memref<16384xi32, #tpu.memory_space<hbm>>, %arg3: memref<16384xi32, #tpu.memory_space<hbm>>, %arg4: memref<1000000x64xf32, #tpu.memory_space<hbm>>, %arg5: memref<1000000x64xf32, #tpu.memory_space<hbm>>, %arg6: memref<16384xf32, #tpu.memory_space<hbm>>, %arg7: memref<512xi32, #tpu.memory_space<vmem>>, %arg8: memref<512xi32, #tpu.memory_space<vmem>>, %arg9: memref<2x8192xf32, #tpu.memory_space<vmem>>, %arg10: memref<2x8192xf32, #tpu.memory_space<vmem>>, %arg11: memref<528xf32, #tpu.memory_space<vmem>>, %arg12: memref<!tpu.dma_semaphore, #tpu.memory_space<semaphore_mem>>, %arg13: memref<!tpu.dma_semaphore, #tpu.memory_space<semaphore_mem>>) attributes {dimension_semantics = [#tpu.dimension_semantics<core_parallel>, #tpu.dimension_semantics<subcore_parallel>], iteration_bounds = array<i64: 2, 16>, scalar_prefetch = 0 : i64, scratch_operands = 7 : i64, tpu.core_type = #tpu.core_type<sc_vector_subcore>, window_params = [{transform_indices = #map}, {transform_indices = #map}, {transform_indices = #map1}, {transform_indices = #map1}, {transform_indices = #map}]} {
    %mul3A = arith.constant 2 : i32
    %mul3A_0 = arith.muli %arg1, %mul3A : i32
    %add3A = arith.addi %mul3A_0, %arg0 : i32
    %mul3A_1 = arith.constant 512 : i32
    %mul3A_2 = arith.muli %add3A, %mul3A_1 : i32
    "tpu.region"() ({
      %run_scoped3A = tpu.sem_alloc : memref<!tpu.dma_semaphore, #tpu.memory_space<semaphore_mem>>
      %dma_start3A = tpu.memref_slice %arg2[%mul3A_2] : memref<16384xi32, #tpu.memory_space<hbm>> -> memref<512xi32, #tpu.memory_space<hbm>>
      %dma_start3A_11 = tpu.memref_slice %arg2[%mul3A_2] : memref<16384xi32, #tpu.memory_space<hbm>> -> memref<512xi32, #tpu.memory_space<hbm>>
      tpu.enqueue_dma source(%dma_start3A_11 : memref<512xi32, #tpu.memory_space<hbm>>) target(%arg7 : memref<512xi32, #tpu.memory_space<vmem>>) target_semaphore(%run_scoped3A : memref<!tpu.dma_semaphore, #tpu.memory_space<semaphore_mem>>)
      %dma_wait3A = tpu.memref_slice %arg2[%mul3A_2] : memref<16384xi32, #tpu.memory_space<hbm>> -> memref<512xi32, #tpu.memory_space<hbm>>
      %dma_wait3A_12 = tpu.memref_slice %arg2[%mul3A_2] : memref<16384xi32, #tpu.memory_space<hbm>> -> memref<512xi32, #tpu.memory_space<hbm>>
      tpu.wait_dma2 semaphore(%run_scoped3A : memref<!tpu.dma_semaphore, #tpu.memory_space<semaphore_mem>>) src(%dma_wait3A_12 : memref<512xi32, #tpu.memory_space<hbm>>) dst(%arg7 : memref<512xi32, #tpu.memory_space<vmem>>)
      tpu.yield
    }) : () -> ()
    "tpu.region"() ({
      %run_scoped3A = tpu.sem_alloc : memref<!tpu.dma_semaphore, #tpu.memory_space<semaphore_mem>>
      %dma_start3A = tpu.memref_slice %arg3[%mul3A_2] : memref<16384xi32, #tpu.memory_space<hbm>> -> memref<512xi32, #tpu.memory_space<hbm>>
      %dma_start3A_11 = tpu.memref_slice %arg3[%mul3A_2] : memref<16384xi32, #tpu.memory_space<hbm>> -> memref<512xi32, #tpu.memory_space<hbm>>
      tpu.enqueue_dma source(%dma_start3A_11 : memref<512xi32, #tpu.memory_space<hbm>>) target(%arg8 : memref<512xi32, #tpu.memory_space<vmem>>) target_semaphore(%run_scoped3A : memref<!tpu.dma_semaphore, #tpu.memory_space<semaphore_mem>>)
      %dma_wait3A = tpu.memref_slice %arg3[%mul3A_2] : memref<16384xi32, #tpu.memory_space<hbm>> -> memref<512xi32, #tpu.memory_space<hbm>>
      %dma_wait3A_12 = tpu.memref_slice %arg3[%mul3A_2] : memref<16384xi32, #tpu.memory_space<hbm>> -> memref<512xi32, #tpu.memory_space<hbm>>
      tpu.wait_dma2 semaphore(%run_scoped3A : memref<!tpu.dma_semaphore, #tpu.memory_space<semaphore_mem>>) src(%dma_wait3A_12 : memref<512xi32, #tpu.memory_space<hbm>>) dst(%arg8 : memref<512xi32, #tpu.memory_space<vmem>>)
      tpu.yield
    }) : () -> ()
    %iota3A = tpu.iota {dimensions = array<i32: 0>} : vector<16xi32>
    %eq3A = arith.constant 15 : i32
    %eq3A_3 = vector.broadcast %eq3A : i32 to vector<16xi32>
    %eq3A_4 = arith.cmpi eq, %iota3A, %eq3A_3 : vector<16xi32>
    %scan3A = arith.constant 0 : i32
    %scan3A_5 = arith.constant 0 : i32
    %scan3A_6 = arith.constant 4 : i32
    %scan3A_7 = arith.addi %scan3A_5, %scan3A_6 : i32
    %scan3A_8 = arith.constant 1 : i32
    %scan3A_9 = scf.for %scan3A_11 = %scan3A_5 to %scan3A_7 step %scan3A_8 iter_args(%scan3A_12 = %scan3A) -> (i32)  : i32 {
      %scan3A_13 = arith.constant 0 : i32
      %scan3A_14 = arith.constant 0 : i32
      %scan3A_15 = arith.constant 8 : i32
      %scan3A_16 = arith.addi %scan3A_14, %scan3A_15 : i32
      %scan3A_17 = arith.constant 1 : i32
      %scan3A_18 = scf.for %scan3A_35 = %scan3A_14 to %scan3A_16 step %scan3A_17 iter_args(%scan3A_36 = %scan3A_13) -> (i32)  : i32 {
        %mul3A_37 = arith.constant 128 : i32
        %mul3A_38 = arith.muli %scan3A_11, %mul3A_37 : i32
        %mul3A_39 = arith.constant 16 : i32
        %mul3A_40 = arith.muli %scan3A_35, %mul3A_39 : i32
        %add3A_41 = arith.addi %mul3A_38, %mul3A_40 : i32
        %get3A = arith.index_cast %add3A_41 : i32 to index
        %get3A_42 = tpu.vector_load %arg7[%get3A] {strides = array<i32>} : memref<512xi32, #tpu.memory_space<vmem>>, vector<16xi32>,
        %get3A_43 = arith.index_cast %add3A_41 : i32 to index
        %get3A_44 = tpu.vector_load %arg8[%get3A_43] {strides = array<i32>} : memref<512xi32, #tpu.memory_space<vmem>>, vector<16xi32>,
        %mul3A_45 = arith.constant 16 : i32
        %mul3A_46 = arith.muli %scan3A_35, %mul3A_45 : i32
        %add3A_47 = arith.constant 0 : i32
        %add3A_48 = arith.addi %mul3A_46, %add3A_47 : i32
        %slice3A = vector.extract_strided_slice %get3A_42 {offsets = [0], sizes = [1], strides = [1]} : vector<16xi32> to vector<1xi32>
        %squeeze3A = vector.extract %slice3A[0] : i32 from vector<1xi32>
        %mul3A_49 = arith.constant 64 : i32
        %mul3A_50 = arith.muli %add3A_48, %mul3A_49 : i32
        %dma_start3A = arith.constant 0 : i32
        %dma_start3A_51 = tpu.memref_slice %arg9[%dma_start3A, %mul3A_50] : memref<2x8192xf32, #tpu.memory_space<vmem>> -> memref<1x64xf32, #tpu.memory_space<vmem>>
        %dma_start3A_52 = tpu.memref_squeeze %dma_start3A_51 : memref<1x64xf32, #tpu.memory_space<vmem>> -> memref<64xf32, #tpu.memory_space<vmem>>
        %dma_start3A_53 = arith.constant 0 : i32
        %dma_start3A_54 = tpu.memref_slice %arg4[%squeeze3A, %dma_start3A_53] : memref<1000000x64xf32, #tpu.memory_space<hbm>> -> memref<1x64xf32, #tpu.memory_space<hbm>>
        %dma_start3A_55 = tpu.memref_squeeze %dma_start3A_54 : memref<1x64xf32, #tpu.memory_space<hbm>> -> memref<64xf32, #tpu.memory_space<hbm>>
        %dma_start3A_56 = tpu.memref_slice %arg9[%dma_start3A, %mul3A_50] : memref<2x8192xf32, #tpu.memory_space<vmem>> -> memref<1x64xf32, #tpu.memory_space<vmem>>
        %dma_start3A_57 = tpu.memref_squeeze %dma_start3A_56 : memref<1x64xf32, #tpu.memory_space<vmem>> -> memref<64xf32, #tpu.memory_space<vmem>>
        %dma_start3A_58 = arith.constant 0 : i32
        %dma_start3A_59 = tpu.memref_slice %arg4[%squeeze3A, %dma_start3A_58] : memref<1000000x64xf32, #tpu.memory_space<hbm>> -> memref<1x64xf32, #tpu.memory_space<hbm>>
        %dma_start3A_60 = tpu.memref_squeeze %dma_start3A_59 : memref<1x64xf32, #tpu.memory_space<hbm>> -> memref<64xf32, #tpu.memory_space<hbm>>
        tpu.enqueue_dma source(%dma_start3A_60 : memref<64xf32, #tpu.memory_space<hbm>>) target(%dma_start3A_57 : memref<64xf32, #tpu.memory_space<vmem>>) target_semaphore(%arg12 : memref<!tpu.dma_semaphore, #tpu.memory_space<semaphore_mem>>)
        %slice3A_61 = vector.extract_strided_slice %get3A_44 {offsets = [0], sizes = [1], strides = [1]} : vector<16xi32> to vector<1xi32>
        %squeeze3A_62 = vector.extract %slice3A_61[0] : i32 from vector<1xi32>
        %mul3A_63 = arith.constant 64 : i32
        %mul3A_64 = arith.muli %add3A_48, %mul3A_63 : i32
        %dma_start3A_65 = arith.constant 0 : i32
        %dma_start3A_66 = tpu.memref_slice %arg10[%dma_start3A_65, %mul3A_64] : memref<2x8192xf32, #tpu.memory_space<vmem>> -> memref<1x64xf32, #tpu.memory_space<vmem>>
        %dma_start3A_67 = tpu.memref_squeeze %dma_start3A_66 : memref<1x64xf32, #tpu.memory_space<vmem>> -> memref<64xf32, #tpu.memory_space<vmem>>
        %dma_start3A_68 = arith.constant 0 : i32
        %dma_start3A_69 = tpu.memref_slice %arg5[%squeeze3A_62, %dma_start3A_68] : memref<1000000x64xf32, #tpu.memory_space<hbm>> -> memref<1x64xf32, #tpu.memory_space<hbm>>
        %dma_start3A_70 = tpu.memref_squeeze %dma_start3A_69 : memref<1x64xf32, #tpu.memory_space<hbm>> -> memref<64xf32, #tpu.memory_space<hbm>>
        %dma_start3A_71 = tpu.memref_slice %arg10[%dma_start3A_65, %mul3A_64] : memref<2x8192xf32, #tpu.memory_space<vmem>> -> memref<1x64xf32, #tpu.memory_space<vmem>>
        %dma_start3A_72 = tpu.memref_squeeze %dma_start3A_71 : memref<1x64xf32, #tpu.memory_space<vmem>> -> memref<64xf32, #tpu.memory_space<vmem>>
        %dma_start3A_73 = arith.constant 0 : i32
        %dma_start3A_74 = tpu.memref_slice %arg5[%squeeze3A_62, %dma_start3A_73] : memref<1000000x64xf32, #tpu.memory_space<hbm>> -> memref<1x64xf32, #tpu.memory_space<hbm>>
        %dma_start3A_75 = tpu.memref_squeeze %dma_start3A_74 : memref<1x64xf32, #tpu.memory_space<hbm>> -> memref<64xf32, #tpu.memory_space<hbm>>
        tpu.enqueue_dma source(%dma_start3A_75 : memref<64xf32, #tpu.memory_space<hbm>>) target(%dma_start3A_72 : memref<64xf32, #tpu.memory_space<vmem>>) target_semaphore(%arg13 : memref<!tpu.dma_semaphore, #tpu.memory_space<semaphore_mem>>)
        %mul3A_76 = arith.constant 16 : i32
        %mul3A_77 = arith.muli %scan3A_35, %mul3A_76 : i32
        %add3A_78 = arith.constant 1 : i32
        %add3A_79 = arith.addi %mul3A_77, %add3A_78 : i32
        %slice3A_80 = vector.extract_strided_slice %get3A_42 {offsets = [1], sizes = [1], strides = [1]} : vector<16xi32> to vector<1xi32>
        %squeeze3A_81 = vector.extract %slice3A_80[0] : i32 from vector<1xi32>
        %mul3A_82 = arith.constant 64 : i32
        %mul3A_83 = arith.muli %add3A_79, %mul3A_82 : i32
        %dma_start3A_84 = arith.constant 0 : i32
        %dma_start3A_85 = tpu.memref_slice %arg9[%dma_start3A_84, %mul3A_83] : memref<2x8192xf32, #tpu.memory_space<vmem>> -> memref<1x64xf32, #tpu.memory_space<vmem>>
        %dma_start3A_86 = tpu.memref_squeeze %dma_start3A_85 : memref<1x64xf32, #tpu.memory_space<vmem>> -> memref<64xf32, #tpu.memory_space<vmem>>
        %dma_start3A_87 = arith.constant 0 : i32
        %dma_start3A_88 = tpu.memref_slice %arg4[%squeeze3A_81, %dma_start3A_87] : memref<1000000x64xf32, #tpu.memory_space<hbm>> -> memref<1x64xf32, #tpu.memory_space<hbm>>
        %dma_start3A_89 = tpu.memref_squeeze %dma_start3A_88 : memref<1x64xf32, #tpu.memory_space<hbm>> -> memref<64xf32, #tpu.memory_space<hbm>>
        %dma_start3A_90 = tpu.memref_slice %arg9[%dma_start3A_84, %mul3A_83] : memref<2x8192xf32, #tpu.memory_space<vmem>> -> memref<1x64xf32, #tpu.memory_space<vmem>>
        %dma_start3A_91 = tpu.memref_squeeze %dma_start3A_90 : memref<1x64xf32, #tpu.memory_space<vmem>> -> memref<64xf32, #tpu.memory_space<vmem>>
        %dma_start3A_92 = arith.constant 0 : i32
        %dma_start3A_93 = tpu.memref_slice %arg4[%squeeze3A_81, %dma_start3A_92] : memref<1000000x64xf32, #tpu.memory_space<hbm>> -> memref<1x64xf32, #tpu.memory_space<hbm>>
        %dma_start3A_94 = tpu.memref_squeeze %dma_start3A_93 : memref<1x64xf32, #tpu.memory_space<hbm>> -> memref<64xf32, #tpu.memory_space<hbm>>
        tpu.enqueue_dma source(%dma_start3A_94 : memref<64xf32, #tpu.memory_space<hbm>>) target(%dma_start3A_91 : memref<64xf32, #tpu.memory_space<vmem>>) target_semaphore(%arg12 : memref<!tpu.dma_semaphore, #tpu.memory_space<semaphore_mem>>)
        %slice3A_95 = vector.extract_strided_slice %get3A_44 {offsets = [1], sizes = [1], strides = [1]} : vector<16xi32> to vector<1xi32>
        %squeeze3A_96 = vector.extract %slice3A_95[0] : i32 from vector<1xi32>
        %mul3A_97 = arith.constant 64 : i32
        %mul3A_98 = arith.muli %add3A_79, %mul3A_97 : i32
        %dma_start3A_99 = arith.constant 0 : i32
        %dma_start3A_100 = tpu.memref_slice %arg10[%dma_start3A_99, %mul3A_98] : memref<2x8192xf32, #tpu.memory_space<vmem>> -> memref<1x64xf32, #tpu.memory_space<vmem>>
        %dma_start3A_101 = tpu.memref_squeeze %dma_start3A_100 : memref<1x64xf32, #tpu.memory_space<vmem>> -> memref<64xf32, #tpu.memory_space<vmem>>
        %dma_start3A_102 = arith.constant 0 : i32
        %dma_start3A_103 = tpu.memref_slice %arg5[%squeeze3A_96, %dma_start3A_102] : memref<1000000x64xf32, #tpu.memory_space<hbm>> -> memref<1x64xf32, #tpu.memory_space<hbm>>
        %dma_start3A_104 = tpu.memref_squeeze %dma_start3A_103 : memref<1x64xf32, #tpu.memory_space<hbm>> -> memref<64xf32, #tpu.memory_space<hbm>>
        %dma_start3A_105 = tpu.memref_slice %arg10[%dma_start3A_99, %mul3A_98] : memref<2x8192xf32, #tpu.memory_space<vmem>> -> memref<1x64xf32, #tpu.memory_space<vmem>>
        %dma_start3A_106 = tpu.memref_squeeze %dma_start3A_105 : memref<1x64xf32, #tpu.memory_space<vmem>> -> memref<64xf32, #tpu.memory_space<vmem>>
        %dma_start3A_107 = arith.constant 0 : i32
        %dma_start3A_108 = tpu.memref_slice %arg5[%squeeze3A_96, %dma_start3A_107] : memref<1000000x64xf32, #tpu.memory_space<hbm>> -> memref<1x64xf32, #tpu.memory_space<hbm>>
        %dma_start3A_109 = tpu.memref_squeeze %dma_start3A_108 : memref<1x64xf32, #tpu.memory_space<hbm>> -> memref<64xf32, #tpu.memory_space<hbm>>
        tpu.enqueue_dma source(%dma_start3A_109 : memref<64xf32, #tpu.memory_space<hbm>>) target(%dma_start3A_106 : memref<64xf32, #tpu.memory_space<vmem>>) target_semaphore(%arg13 : memref<!tpu.dma_semaphore, #tpu.memory_space<semaphore_mem>>)
        %mul3A_110 = arith.constant 16 : i32
        %mul3A_111 = arith.muli %scan3A_35, %mul3A_110 : i32
        %add3A_112 = arith.constant 2 : i32
        %add3A_113 = arith.addi %mul3A_111, %add3A_112 : i32
        %slice3A_114 = vector.extract_strided_slice %get3A_42 {offsets = [2], sizes = [1], strides = [1]} : vector<16xi32> to vector<1xi32>
        %squeeze3A_115 = vector.extract %slice3A_114[0] : i32 from vector<1xi32>
        %mul3A_116 = arith.constant 64 : i32
        %mul3A_117 = arith.muli %add3A_113, %mul3A_116 : i32
        %dma_start3A_118 = arith.constant 0 : i32
        %dma_start3A_119 = tpu.memref_slice %arg9[%dma_start3A_118, %mul3A_117] : memref<2x8192xf32, #tpu.memory_space<vmem>> -> memref<1x64xf32, #tpu.memory_space<vmem>>
        %dma_start3A_120 = tpu.memref_squeeze %dma_start3A_119 : memref<1x64xf32, #tpu.memory_space<vmem>> -> memref<64xf32, #tpu.memory_space<vmem>>
        %dma_start3A_121 = arith.constant 0 : i32
        %dma_start3A_122 = tpu.memref_slice %arg4[%squeeze3A_115, %dma_start3A_121] : memref<1000000x64xf32, #tpu.memory_space<hbm>> -> memref<1x64xf32, #tpu.memory_space<hbm>>
        %dma_start3A_123 = tpu.memref_squeeze %dma_start3A_122 : memref<1x64xf32, #tpu.memory_space<hbm>> -> memref<64xf32, #tpu.memory_space<hbm>>
        %dma_start3A_124 = tpu.memref_slice %arg9[%dma_start3A_118, %mul3A_117] : memref<2x8192xf32, #tpu.memory_space<vmem>> -> memref<1x64xf32, #tpu.memory_space<vmem>>
        %dma_start3A_125 = tpu.memref_squeeze %dma_start3A_124 : memref<1x64xf32, #tpu.memory_space<vmem>> -> memref<64xf32, #tpu.memory_space<vmem>>
        %dma_start3A_126 = arith.constant 0 : i32
        %dma_start3A_127 = tpu.memref_slice %arg4[%squeeze3A_115, %dma_start3A_126] : memref<1000000x64xf32, #tpu.memory_space<hbm>> -> memref<1x64xf32, #tpu.memory_space<hbm>>
        %dma_start3A_128 = tpu.memref_squeeze %dma_start3A_127 : memref<1x64xf32, #tpu.memory_space<hbm>> -> memref<64xf32, #tpu.memory_space<hbm>>
        tpu.enqueue_dma source(%dma_start3A_128 : memref<64xf32, #tpu.memory_space<hbm>>) target(%dma_start3A_125 : memref<64xf32, #tpu.memory_space<vmem>>) target_semaphore(%arg12 : memref<!tpu.dma_semaphore, #tpu.memory_space<semaphore_mem>>)
        %slice3A_129 = vector.extract_strided_slice %get3A_44 {offsets = [2], sizes = [1], strides = [1]} : vector<16xi32> to vector<1xi32>
        %squeeze3A_130 = vector.extract %slice3A_129[0] : i32 from vector<1xi32>
        %mul3A_131 = arith.constant 64 : i32
        %mul3A_132 = arith.muli %add3A_113, %mul3A_131 : i32
        %dma_start3A_133 = arith.constant 0 : i32
        %dma_start3A_134 = tpu.memref_slice %arg10[%dma_start3A_133, %mul3A_132] : memref<2x8192xf32, #tpu.memory_space<vmem>> -> memref<1x64xf32, #tpu.memory_space<vmem>>
        %dma_start3A_135 = tpu.memref_squeeze %dma_start3A_134 : memref<1x64xf32, #tpu.memory_space<vmem>> -> memref<64xf32, #tpu.memory_space<vmem>>
        %dma_start3A_136 = arith.constant 0 : i32
        %dma_start3A_137 = tpu.memref_slice %arg5[%squeeze3A_130, %dma_start3A_136] : memref<1000000x64xf32, #tpu.memory_space<hbm>> -> memref<1x64xf32, #tpu.memory_space<hbm>>
        %dma_start3A_138 = tpu.memref_squeeze %dma_start3A_137 : memref<1x64xf32, #tpu.memory_space<hbm>> -> memref<64xf32, #tpu.memory_space<hbm>>
        %dma_start3A_139 = tpu.memref_slice %arg10[%dma_start3A_133, %mul3A_132] : memref<2x8192xf32, #tpu.memory_space<vmem>> -> memref<1x64xf32, #tpu.memory_space<vmem>>
        %dma_start3A_140 = tpu.memref_squeeze %dma_start3A_139 : memref<1x64xf32, #tpu.memory_space<vmem>> -> memref<64xf32, #tpu.memory_space<vmem>>
        %dma_start3A_141 = arith.constant 0 : i32
        %dma_start3A_142 = tpu.memref_slice %arg5[%squeeze3A_130, %dma_start3A_141] : memref<1000000x64xf32, #tpu.memory_space<hbm>> -> memref<1x64xf32, #tpu.memory_space<hbm>>
        %dma_start3A_143 = tpu.memref_squeeze %dma_start3A_142 : memref<1x64xf32, #tpu.memory_space<hbm>> -> memref<64xf32, #tpu.memory_space<hbm>>
        tpu.enqueue_dma source(%dma_start3A_143 : memref<64xf32, #tpu.memory_space<hbm>>) target(%dma_start3A_140 : memref<64xf32, #tpu.memory_space<vmem>>) target_semaphore(%arg13 : memref<!tpu.dma_semaphore, #tpu.memory_space<semaphore_mem>>)
        %mul3A_144 = arith.constant 16 : i32
        %mul3A_145 = arith.muli %scan3A_35, %mul3A_144 : i32
        %add3A_146 = arith.constant 3 : i32
        %add3A_147 = arith.addi %mul3A_145, %add3A_146 : i32
        %slice3A_148 = vector.extract_strided_slice %get3A_42 {offsets = [3], sizes = [1], strides = [1]} : vector<16xi32> to vector<1xi32>
        %squeeze3A_149 = vector.extract %slice3A_148[0] : i32 from vector<1xi32>
        %mul3A_150 = arith.constant 64 : i32
        %mul3A_151 = arith.muli %add3A_147, %mul3A_150 : i32
        %dma_start3A_152 = arith.constant 0 : i32
        %dma_start3A_153 = tpu.memref_slice %arg9[%dma_start3A_152, %mul3A_151] : memref<2x8192xf32, #tpu.memory_space<vmem>> -> memref<1x64xf32, #tpu.memory_space<vmem>>
        %dma_start3A_154 = tpu.memref_squeeze %dma_start3A_153 : memref<1x64xf32, #tpu.memory_space<vmem>> -> memref<64xf32, #tpu.memory_space<vmem>>
        %dma_start3A_155 = arith.constant 0 : i32
        %dma_start3A_156 = tpu.memref_slice %arg4[%squeeze3A_149, %dma_start3A_155] : memref<1000000x64xf32, #tpu.memory_space<hbm>> -> memref<1x64xf32, #tpu.memory_space<hbm>>
        %dma_start3A_157 = tpu.memref_squeeze %dma_start3A_156 : memref<1x64xf32, #tpu.memory_space<hbm>> -> memref<64xf32, #tpu.memory_space<hbm>>
        %dma_start3A_158 = tpu.memref_slice %arg9[%dma_start3A_152, %mul3A_151] : memref<2x8192xf32, #tpu.memory_space<vmem>> -> memref<1x64xf32, #tpu.memory_space<vmem>>
        %dma_start3A_159 = tpu.memref_squeeze %dma_start3A_158 : memref<1x64xf32, #tpu.memory_space<vmem>> -> memref<64xf32, #tpu.memory_space<vmem>>
        %dma_start3A_160 = arith.constant 0 : i32
        %dma_start3A_161 = tpu.memref_slice %arg4[%squeeze3A_149, %dma_start3A_160] : memref<1000000x64xf32, #tpu.memory_space<hbm>> -> memref<1x64xf32, #tpu.memory_space<hbm>>
        %dma_start3A_162 = tpu.memref_squeeze %dma_start3A_161 : memref<1x64xf32, #tpu.memory_space<hbm>> -> memref<64xf32, #tpu.memory_space<hbm>>
        tpu.enqueue_dma source(%dma_start3A_162 : memref<64xf32, #tpu.memory_space<hbm>>) target(%dma_start3A_159 : memref<64xf32, #tpu.memory_space<vmem>>) target_semaphore(%arg12 : memref<!tpu.dma_semaphore, #tpu.memory_space<semaphore_mem>>)
        %slice3A_163 = vector.extract_strided_slice %get3A_44 {offsets = [3], sizes = [1], strides = [1]} : vector<16xi32> to vector<1xi32>
        %squeeze3A_164 = vector.extract %slice3A_163[0] : i32 from vector<1xi32>
        %mul3A_165 = arith.constant 64 : i32
        %mul3A_166 = arith.muli %add3A_147, %mul3A_165 : i32
        %dma_start3A_167 = arith.constant 0 : i32
        %dma_start3A_168 = tpu.memref_slice %arg10[%dma_start3A_167, %mul3A_166] : memref<2x8192xf32, #tpu.memory_space<vmem>> -> memref<1x64xf32, #tpu.memory_space<vmem>>
        %dma_start3A_169 = tpu.memref_squeeze %dma_start3A_168 : memref<1x64xf32, #tpu.memory_space<vmem>> -> memref<64xf32, #tpu.memory_space<vmem>>
        %dma_start3A_170 = arith.constant 0 : i32
        %dma_start3A_171 = tpu.memref_slice %arg5[%squeeze3A_164, %dma_start3A_170] : memref<1000000x64xf32, #tpu.memory_space<hbm>> -> memref<1x64xf32, #tpu.memory_space<hbm>>
        %dma_start3A_172 = tpu.memref_squeeze %dma_start3A_171 : memref<1x64xf32, #tpu.memory_space<hbm>> -> memref<64xf32, #tpu.memory_space<hbm>>
        %dma_start3A_173 = tpu.memref_slice %arg10[%dma_start3A_167, %mul3A_166] : memref<2x8192xf32, #tpu.memory_space<vmem>> -> memref<1x64xf32, #tpu.memory_space<vmem>>
        %dma_start3A_174 = tpu.memref_squeeze %dma_start3A_173 : memref<1x64xf32, #tpu.memory_space<vmem>> -> memref<64xf32, #tpu.memory_space<vmem>>
        %dma_start3A_175 = arith.constant 0 : i32
        %dma_start3A_176 = tpu.memref_slice %arg5[%squeeze3A_164, %dma_start3A_175] : memref<1000000x64xf32, #tpu.memory_space<hbm>> -> memref<1x64xf32, #tpu.memory_space<hbm>>
        %dma_start3A_177 = tpu.memref_squeeze %dma_start3A_176 : memref<1x64xf32, #tpu.memory_space<hbm>> -> memref<64xf32, #tpu.memory_space<hbm>>
        tpu.enqueue_dma source(%dma_start3A_177 : memref<64xf32, #tpu.memory_space<hbm>>) target(%dma_start3A_174 : memref<64xf32, #tpu.memory_space<vmem>>) target_semaphore(%arg13 : memref<!tpu.dma_semaphore, #tpu.memory_space<semaphore_mem>>)
        %mul3A_178 = arith.constant 16 : i32
        %mul3A_179 = arith.muli %scan3A_35, %mul3A_178 : i32
        %add3A_180 = arith.constant 4 : i32
        %add3A_181 = arith.addi %mul3A_179, %add3A_180 : i32
        %slice3A_182 = vector.extract_strided_slice %get3A_42 {offsets = [4], sizes = [1], strides = [1]} : vector<16xi32> to vector<1xi32>
        %squeeze3A_183 = vector.extract %slice3A_182[0] : i32 from vector<1xi32>
        %mul3A_184 = arith.constant 64 : i32
        %mul3A_185 = arith.muli %add3A_181, %mul3A_184 : i32
        %dma_start3A_186 = arith.constant 0 : i32
        %dma_start3A_187 = tpu.memref_slice %arg9[%dma_start3A_186, %mul3A_185] : memref<2x8192xf32, #tpu.memory_space<vmem>> -> memref<1x64xf32, #tpu.memory_space<vmem>>
        %dma_start3A_188 = tpu.memref_squeeze %dma_start3A_187 : memref<1x64xf32, #tpu.memory_space<vmem>> -> memref<64xf32, #tpu.memory_space<vmem>>
        %dma_start3A_189 = arith.constant 0 : i32
        %dma_start3A_190 = tpu.memref_slice %arg4[%squeeze3A_183, %dma_start3A_189] : memref<1000000x64xf32, #tpu.memory_space<hbm>> -> memref<1x64xf32, #tpu.memory_space<hbm>>
        %dma_start3A_191 = tpu.memref_squeeze %dma_start3A_190 : memref<1x64xf32, #tpu.memory_space<hbm>> -> memref<64xf32, #tpu.memory_space<hbm>>
        %dma_start3A_192 = tpu.memref_slice %arg9[%dma_start3A_186, %mul3A_185] : memref<2x8192xf32, #tpu.memory_space<vmem>> -> memref<1x64xf32, #tpu.memory_space<vmem>>
        %dma_start3A_193 = tpu.memref_squeeze %dma_start3A_192 : memref<1x64xf32, #tpu.memory_space<vmem>> -> memref<64xf32, #tpu.memory_space<vmem>>
        %dma_start3A_194 = arith.constant 0 : i32
        %dma_start3A_195 = tpu.memref_slice %arg4[%squeeze3A_183, %dma_start3A_194] : memref<1000000x64xf32, #tpu.memory_space<hbm>> -> memref<1x64xf32, #tpu.memory_space<hbm>>
        %dma_start3A_196 = tpu.memref_squeeze %dma_start3A_195 : memref<1x64xf32, #tpu.memory_space<hbm>> -> memref<64xf32, #tpu.memory_space<hbm>>
        tpu.enqueue_dma source(%dma_start3A_196 : memref<64xf32, #tpu.memory_space<hbm>>) target(%dma_start3A_193 : memref<64xf32, #tpu.memory_space<vmem>>) target_semaphore(%arg12 : memref<!tpu.dma_semaphore, #tpu.memory_space<semaphore_mem>>)
        %slice3A_197 = vector.extract_strided_slice %get3A_44 {offsets = [4], sizes = [1], strides = [1]} : vector<16xi32> to vector<1xi32>
        %squeeze3A_198 = vector.extract %slice3A_197[0] : i32 from vector<1xi32>
        %mul3A_199 = arith.constant 64 : i32
        %mul3A_200 = arith.muli %add3A_181, %mul3A_199 : i32
        %dma_start3A_201 = arith.constant 0 : i32
        %dma_start3A_202 = tpu.memref_slice %arg10[%dma_start3A_201, %mul3A_200] : memref<2x8192xf32, #tpu.memory_space<vmem>> -> memref<1x64xf32, #tpu.memory_space<vmem>>
        %dma_start3A_203 = tpu.memref_squeeze %dma_start3A_202 : memref<1x64xf32, #tpu.memory_space<vmem>> -> memref<64xf32, #tpu.memory_space<vmem>>
        %dma_start3A_204 = arith.constant 0 : i32
        %dma_start3A_205 = tpu.memref_slice %arg5[%squeeze3A_198, %dma_start3A_204] : memref<1000000x64xf32, #tpu.memory_space<hbm>> -> memref<1x64xf32, #tpu.memory_space<hbm>>
        %dma_start3A_206 = tpu.memref_squeeze %dma_start3A_205 : memref<1x64xf32, #tpu.memory_space<hbm>> -> memref<64xf32, #tpu.memory_space<hbm>>
        %dma_start3A_207 = tpu.memref_slice %arg10[%dma_start3A_201, %mul3A_200] : memref<2x8192xf32, #tpu.memory_space<vmem>> -> memref<1x64xf32, #tpu.memory_space<vmem>>
        %dma_start3A_208 = tpu.memref_squeeze %dma_start3A_207 : memref<1x64xf32, #tpu.memory_space<vmem>> -> memref<64xf32, #tpu.memory_space<vmem>>
        %dma_start3A_209 = arith.constant 0 : i32
        %dma_start3A_210 = tpu.memref_slice %arg5[%squeeze3A_198, %dma_start3A_209] : memref<1000000x64xf32, #tpu.memory_space<hbm>> -> memref<1x64xf32, #tpu.memory_space<hbm>>
        %dma_start3A_211 = tpu.memref_squeeze %dma_start3A_210 : memref<1x64xf32, #tpu.memory_space<hbm>> -> memref<64xf32, #tpu.memory_space<hbm>>
        tpu.enqueue_dma source(%dma_start3A_211 : memref<64xf32, #tpu.memory_space<hbm>>) target(%dma_start3A_208 : memref<64xf32, #tpu.memory_space<vmem>>) target_semaphore(%arg13 : memref<!tpu.dma_semaphore, #tpu.memory_space<semaphore_mem>>)
        %mul3A_212 = arith.constant 16 : i32
        %mul3A_213 = arith.muli %scan3A_35, %mul3A_212 : i32
        %add3A_214 = arith.constant 5 : i32
        %add3A_215 = arith.addi %mul3A_213, %add3A_214 : i32
        %slice3A_216 = vector.extract_strided_slice %get3A_42 {offsets = [5], sizes = [1], strides = [1]} : vector<16xi32> to vector<1xi32>
        %squeeze3A_217 = vector.extract %slice3A_216[0] : i32 from vector<1xi32>
        %mul3A_218 = arith.constant 64 : i32
        %mul3A_219 = arith.muli %add3A_215, %mul3A_218 : i32
        %dma_start3A_220 = arith.constant 0 : i32
        %dma_start3A_221 = tpu.memref_slice %arg9[%dma_start3A_220, %mul3A_219] : memref<2x8192xf32, #tpu.memory_space<vmem>> -> memref<1x64xf32, #tpu.memory_space<vmem>>
        %dma_start3A_222 = tpu.memref_squeeze %dma_start3A_221 : memref<1x64xf32, #tpu.memory_space<vmem>> -> memref<64xf32, #tpu.memory_space<vmem>>
        %dma_start3A_223 = arith.constant 0 : i32
        %dma_start3A_224 = tpu.memref_slice %arg4[%squeeze3A_217, %dma_start3A_223] : memref<1000000x64xf32, #tpu.memory_space<hbm>> -> memref<1x64xf32, #tpu.memory_space<hbm>>
        %dma_start3A_225 = tpu.memref_squeeze %dma_start3A_224 : memref<1x64xf32, #tpu.memory_space<hbm>> -> memref<64xf32, #tpu.memory_space<hbm>>
        %dma_start3A_226 = tpu.memref_slice %arg9[%dma_start3A_220, %mul3A_219] : memref<2x8192xf32, #tpu.memory_space<vmem>> -> memref<1x64xf32, #tpu.memory_space<vmem>>
        %dma_start3A_227 = tpu.memref_squeeze %dma_start3A_226 : memref<1x64xf32, #tpu.memory_space<vmem>> -> memref<64xf32, #tpu.memory_space<vmem>>
        %dma_start3A_228 = arith.constant 0 : i32
        %dma_start3A_229 = tpu.memref_slice %arg4[%squeeze3A_217, %dma_start3A_228] : memref<1000000x64xf32, #tpu.memory_space<hbm>> -> memref<1x64xf32, #tpu.memory_space<hbm>>
        %dma_start3A_230 = tpu.memref_squeeze %dma_start3A_229 : memref<1x64xf32, #tpu.memory_space<hbm>> -> memref<64xf32, #tpu.memory_space<hbm>>
        tpu.enqueue_dma source(%dma_start3A_230 : memref<64xf32, #tpu.memory_space<hbm>>) target(%dma_start3A_227 : memref<64xf32, #tpu.memory_space<vmem>>) target_semaphore(%arg12 : memref<!tpu.dma_semaphore, #tpu.memory_space<semaphore_mem>>)
        %slice3A_231 = vector.extract_strided_slice %get3A_44 {offsets = [5], sizes = [1], strides = [1]} : vector<16xi32> to vector<1xi32>
        %squeeze3A_232 = vector.extract %slice3A_231[0] : i32 from vector<1xi32>
        %mul3A_233 = arith.constant 64 : i32
        %mul3A_234 = arith.muli %add3A_215, %mul3A_233 : i32
        %dma_start3A_235 = arith.constant 0 : i32
        %dma_start3A_236 = tpu.memref_slice %arg10[%dma_start3A_235, %mul3A_234] : memref<2x8192xf32, #tpu.memory_space<vmem>> -> memref<1x64xf32, #tpu.memory_space<vmem>>
        %dma_start3A_237 = tpu.memref_squeeze %dma_start3A_236 : memref<1x64xf32, #tpu.memory_space<vmem>> -> memref<64xf32, #tpu.memory_space<vmem>>
        %dma_start3A_238 = arith.constant 0 : i32
        %dma_start3A_239 = tpu.memref_slice %arg5[%squeeze3A_232, %dma_start3A_238] : memref<1000000x64xf32, #tpu.memory_space<hbm>> -> memref<1x64xf32, #tpu.memory_space<hbm>>
        %dma_start3A_240 = tpu.memref_squeeze %dma_start3A_239 : memref<1x64xf32, #tpu.memory_space<hbm>> -> memref<64xf32, #tpu.memory_space<hbm>>
        %dma_start3A_241 = tpu.memref_slice %arg10[%dma_start3A_235, %mul3A_234] : memref<2x8192xf32, #tpu.memory_space<vmem>> -> memref<1x64xf32, #tpu.memory_space<vmem>>
        %dma_start3A_242 = tpu.memref_squeeze %dma_start3A_241 : memref<1x64xf32, #tpu.memory_space<vmem>> -> memref<64xf32, #tpu.memory_space<vmem>>
        %dma_start3A_243 = arith.constant 0 : i32
        %dma_start3A_244 = tpu.memref_slice %arg5[%squeeze3A_232, %dma_start3A_243] : memref<1000000x64xf32, #tpu.memory_space<hbm>> -> memref<1x64xf32, #tpu.memory_space<hbm>>
        %dma_start3A_245 = tpu.memref_squeeze %dma_start3A_244 : memref<1x64xf32, #tpu.memory_space<hbm>> -> memref<64xf32, #tpu.memory_space<hbm>>
        tpu.enqueue_dma source(%dma_start3A_245 : memref<64xf32, #tpu.memory_space<hbm>>) target(%dma_start3A_242 : memref<64xf32, #tpu.memory_space<vmem>>) target_semaphore(%arg13 : memref<!tpu.dma_semaphore, #tpu.memory_space<semaphore_mem>>)
        %mul3A_246 = arith.constant 16 : i32
        %mul3A_247 = arith.muli %scan3A_35, %mul3A_246 : i32
        %add3A_248 = arith.constant 6 : i32
        %add3A_249 = arith.addi %mul3A_247, %add3A_248 : i32
        %slice3A_250 = vector.extract_strided_slice %get3A_42 {offsets = [6], sizes = [1], strides = [1]} : vector<16xi32> to vector<1xi32>
        %squeeze3A_251 = vector.extract %slice3A_250[0] : i32 from vector<1xi32>
        %mul3A_252 = arith.constant 64 : i32
        %mul3A_253 = arith.muli %add3A_249, %mul3A_252 : i32
        %dma_start3A_254 = arith.constant 0 : i32
        %dma_start3A_255 = tpu.memref_slice %arg9[%dma_start3A_254, %mul3A_253] : memref<2x8192xf32, #tpu.memory_space<vmem>> -> memref<1x64xf32, #tpu.memory_space<vmem>>
        %dma_start3A_256 = tpu.memref_squeeze %dma_start3A_255 : memref<1x64xf32, #tpu.memory_space<vmem>> -> memref<64xf32, #tpu.memory_space<vmem>>
        %dma_start3A_257 = arith.constant 0 : i32
        %dma_start3A_258 = tpu.memref_slice %arg4[%squeeze3A_251, %dma_start3A_257] : memref<1000000x64xf32, #tpu.memory_space<hbm>> -> memref<1x64xf32, #tpu.memory_space<hbm>>
        %dma_start3A_259 = tpu.memref_squeeze %dma_start3A_258 : memref<1x64xf32, #tpu.memory_space<hbm>> -> memref<64xf32, #tpu.memory_space<hbm>>
        %dma_start3A_260 = tpu.memref_slice %arg9[%dma_start3A_254, %mul3A_253] : memref<2x8192xf32, #tpu.memory_space<vmem>> -> memref<1x64xf32, #tpu.memory_space<vmem>>
        %dma_start3A_261 = tpu.memref_squeeze %dma_start3A_260 : memref<1x64xf32, #tpu.memory_space<vmem>> -> memref<64xf32, #tpu.memory_space<vmem>>
        %dma_start3A_262 = arith.constant 0 : i32
        %dma_start3A_263 = tpu.memref_slice %arg4[%squeeze3A_251, %dma_start3A_262] : memref<1000000x64xf32, #tpu.memory_space<hbm>> -> memref<1x64xf32, #tpu.memory_space<hbm>>
        %dma_start3A_264 = tpu.memref_squeeze %dma_start3A_263 : memref<1x64xf32, #tpu.memory_space<hbm>> -> memref<64xf32, #tpu.memory_space<hbm>>
        tpu.enqueue_dma source(%dma_start3A_264 : memref<64xf32, #tpu.memory_space<hbm>>) target(%dma_start3A_261 : memref<64xf32, #tpu.memory_space<vmem>>) target_semaphore(%arg12 : memref<!tpu.dma_semaphore, #tpu.memory_space<semaphore_mem>>)
        %slice3A_265 = vector.extract_strided_slice %get3A_44 {offsets = [6], sizes = [1], strides = [1]} : vector<16xi32> to vector<1xi32>
        %squeeze3A_266 = vector.extract %slice3A_265[0] : i32 from vector<1xi32>
        %mul3A_267 = arith.constant 64 : i32
        %mul3A_268 = arith.muli %add3A_249, %mul3A_267 : i32
        %dma_start3A_269 = arith.constant 0 : i32
        %dma_start3A_270 = tpu.memref_slice %arg10[%dma_start3A_269, %mul3A_268] : memref<2x8192xf32, #tpu.memory_space<vmem>> -> memref<1x64xf32, #tpu.memory_space<vmem>>
        %dma_start3A_271 = tpu.memref_squeeze %dma_start3A_270 : memref<1x64xf32, #tpu.memory_space<vmem>> -> memref<64xf32, #tpu.memory_space<vmem>>
        %dma_start3A_272 = arith.constant 0 : i32
        %dma_start3A_273 = tpu.memref_slice %arg5[%squeeze3A_266, %dma_start3A_272] : memref<1000000x64xf32, #tpu.memory_space<hbm>> -> memref<1x64xf32, #tpu.memory_space<hbm>>
        %dma_start3A_274 = tpu.memref_squeeze %dma_start3A_273 : memref<1x64xf32, #tpu.memory_space<hbm>> -> memref<64xf32, #tpu.memory_space<hbm>>
        %dma_start3A_275 = tpu.memref_slice %arg10[%dma_start3A_269, %mul3A_268] : memref<2x8192xf32, #tpu.memory_space<vmem>> -> memref<1x64xf32, #tpu.memory_space<vmem>>
        %dma_start3A_276 = tpu.memref_squeeze %dma_start3A_275 : memref<1x64xf32, #tpu.memory_space<vmem>> -> memref<64xf32, #tpu.memory_space<vmem>>
        %dma_start3A_277 = arith.constant 0 : i32
        %dma_start3A_278 = tpu.memref_slice %arg5[%squeeze3A_266, %dma_start3A_277] : memref<1000000x64xf32, #tpu.memory_space<hbm>> -> memref<1x64xf32, #tpu.memory_space<hbm>>
        %dma_start3A_279 = tpu.memref_squeeze %dma_start3A_278 : memref<1x64xf32, #tpu.memory_space<hbm>> -> memref<64xf32, #tpu.memory_space<hbm>>
        tpu.enqueue_dma source(%dma_start3A_279 : memref<64xf32, #tpu.memory_space<hbm>>) target(%dma_start3A_276 : memref<64xf32, #tpu.memory_space<vmem>>) target_semaphore(%arg13 : memref<!tpu.dma_semaphore, #tpu.memory_space<semaphore_mem>>)
        %mul3A_280 = arith.constant 16 : i32
        %mul3A_281 = arith.muli %scan3A_35, %mul3A_280 : i32
        %add3A_282 = arith.constant 7 : i32
        %add3A_283 = arith.addi %mul3A_281, %add3A_282 : i32
        %slice3A_284 = vector.extract_strided_slice %get3A_42 {offsets = [7], sizes = [1], strides = [1]} : vector<16xi32> to vector<1xi32>
        %squeeze3A_285 = vector.extract %slice3A_284[0] : i32 from vector<1xi32>
        %mul3A_286 = arith.constant 64 : i32
        %mul3A_287 = arith.muli %add3A_283, %mul3A_286 : i32
        %dma_start3A_288 = arith.constant 0 : i32
        %dma_start3A_289 = tpu.memref_slice %arg9[%dma_start3A_288, %mul3A_287] : memref<2x8192xf32, #tpu.memory_space<vmem>> -> memref<1x64xf32, #tpu.memory_space<vmem>>
        %dma_start3A_290 = tpu.memref_squeeze %dma_start3A_289 : memref<1x64xf32, #tpu.memory_space<vmem>> -> memref<64xf32, #tpu.memory_space<vmem>>
        %dma_start3A_291 = arith.constant 0 : i32
        %dma_start3A_292 = tpu.memref_slice %arg4[%squeeze3A_285, %dma_start3A_291] : memref<1000000x64xf32, #tpu.memory_space<hbm>> -> memref<1x64xf32, #tpu.memory_space<hbm>>
        %dma_start3A_293 = tpu.memref_squeeze %dma_start3A_292 : memref<1x64xf32, #tpu.memory_space<hbm>> -> memref<64xf32, #tpu.memory_space<hbm>>
        %dma_start3A_294 = tpu.memref_slice %arg9[%dma_start3A_288, %mul3A_287] : memref<2x8192xf32, #tpu.memory_space<vmem>> -> memref<1x64xf32, #tpu.memory_space<vmem>>
        %dma_start3A_295 = tpu.memref_squeeze %dma_start3A_294 : memref<1x64xf32, #tpu.memory_space<vmem>> -> memref<64xf32, #tpu.memory_space<vmem>>
        %dma_start3A_296 = arith.constant 0 : i32
        %dma_start3A_297 = tpu.memref_slice %arg4[%squeeze3A_285, %dma_start3A_296] : memref<1000000x64xf32, #tpu.memory_space<hbm>> -> memref<1x64xf32, #tpu.memory_space<hbm>>
        %dma_start3A_298 = tpu.memref_squeeze %dma_start3A_297 : memref<1x64xf32, #tpu.memory_space<hbm>> -> memref<64xf32, #tpu.memory_space<hbm>>
        tpu.enqueue_dma source(%dma_start3A_298 : memref<64xf32, #tpu.memory_space<hbm>>) target(%dma_start3A_295 : memref<64xf32, #tpu.memory_space<vmem>>) target_semaphore(%arg12 : memref<!tpu.dma_semaphore, #tpu.memory_space<semaphore_mem>>)
        %slice3A_299 = vector.extract_strided_slice %get3A_44 {offsets = [7], sizes = [1], strides = [1]} : vector<16xi32> to vector<1xi32>
        %squeeze3A_300 = vector.extract %slice3A_299[0] : i32 from vector<1xi32>
        %mul3A_301 = arith.constant 64 : i32
        %mul3A_302 = arith.muli %add3A_283, %mul3A_301 : i32
        %dma_start3A_303 = arith.constant 0 : i32
        %dma_start3A_304 = tpu.memref_slice %arg10[%dma_start3A_303, %mul3A_302] : memref<2x8192xf32, #tpu.memory_space<vmem>> -> memref<1x64xf32, #tpu.memory_space<vmem>>
        %dma_start3A_305 = tpu.memref_squeeze %dma_start3A_304 : memref<1x64xf32, #tpu.memory_space<vmem>> -> memref<64xf32, #tpu.memory_space<vmem>>
        %dma_start3A_306 = arith.constant 0 : i32
        %dma_start3A_307 = tpu.memref_slice %arg5[%squeeze3A_300, %dma_start3A_306] : memref<1000000x64xf32, #tpu.memory_space<hbm>> -> memref<1x64xf32, #tpu.memory_space<hbm>>
        %dma_start3A_308 = tpu.memref_squeeze %dma_start3A_307 : memref<1x64xf32, #tpu.memory_space<hbm>> -> memref<64xf32, #tpu.memory_space<hbm>>
        %dma_start3A_309 = tpu.memref_slice %arg10[%dma_start3A_303, %mul3A_302] : memref<2x8192xf32, #tpu.memory_space<vmem>> -> memref<1x64xf32, #tpu.memory_space<vmem>>
        %dma_start3A_310 = tpu.memref_squeeze %dma_start3A_309 : memref<1x64xf32, #tpu.memory_space<vmem>> -> memref<64xf32, #tpu.memory_space<vmem>>
        %dma_start3A_311 = arith.constant 0 : i32
        %dma_start3A_312 = tpu.memref_slice %arg5[%squeeze3A_300, %dma_start3A_311] : memref<1000000x64xf32, #tpu.memory_space<hbm>> -> memref<1x64xf32, #tpu.memory_space<hbm>>
        %dma_start3A_313 = tpu.memref_squeeze %dma_start3A_312 : memref<1x64xf32, #tpu.memory_space<hbm>> -> memref<64xf32, #tpu.memory_space<hbm>>
        tpu.enqueue_dma source(%dma_start3A_313 : memref<64xf32, #tpu.memory_space<hbm>>) target(%dma_start3A_310 : memref<64xf32, #tpu.memory_space<vmem>>) target_semaphore(%arg13 : memref<!tpu.dma_semaphore, #tpu.memory_space<semaphore_mem>>)
        %mul3A_314 = arith.constant 16 : i32
        %mul3A_315 = arith.muli %scan3A_35, %mul3A_314 : i32
        %add3A_316 = arith.constant 8 : i32
        %add3A_317 = arith.addi %mul3A_315, %add3A_316 : i32
        %slice3A_318 = vector.extract_strided_slice %get3A_42 {offsets = [8], sizes = [1], strides = [1]} : vector<16xi32> to vector<1xi32>
        %squeeze3A_319 = vector.extract %slice3A_318[0] : i32 from vector<1xi32>
        %mul3A_320 = arith.constant 64 : i32
        %mul3A_321 = arith.muli %add3A_317, %mul3A_320 : i32
        %dma_start3A_322 = arith.constant 0 : i32
        %dma_start3A_323 = tpu.memref_slice %arg9[%dma_start3A_322, %mul3A_321] : memref<2x8192xf32, #tpu.memory_space<vmem>> -> memref<1x64xf32, #tpu.memory_space<vmem>>
        %dma_start3A_324 = tpu.memref_squeeze %dma_start3A_323 : memref<1x64xf32, #tpu.memory_space<vmem>> -> memref<64xf32, #tpu.memory_space<vmem>>
        %dma_start3A_325 = arith.constant 0 : i32
        %dma_start3A_326 = tpu.memref_slice %arg4[%squeeze3A_319, %dma_start3A_325] : memref<1000000x64xf32, #tpu.memory_space<hbm>> -> memref<1x64xf32, #tpu.memory_space<hbm>>
        %dma_start3A_327 = tpu.memref_squeeze %dma_start3A_326 : memref<1x64xf32, #tpu.memory_space<hbm>> -> memref<64xf32, #tpu.memory_space<hbm>>
        %dma_start3A_328 = tpu.memref_slice %arg9[%dma_start3A_322, %mul3A_321] : memref<2x8192xf32, #tpu.memory_space<vmem>> -> memref<1x64xf32, #tpu.memory_space<vmem>>
        %dma_start3A_329 = tpu.memref_squeeze %dma_start3A_328 : memref<1x64xf32, #tpu.memory_space<vmem>> -> memref<64xf32, #tpu.memory_space<vmem>>
        %dma_start3A_330 = arith.constant 0 : i32
        %dma_start3A_331 = tpu.memref_slice %arg4[%squeeze3A_319, %dma_start3A_330] : memref<1000000x64xf32, #tpu.memory_space<hbm>> -> memref<1x64xf32, #tpu.memory_space<hbm>>
        %dma_start3A_332 = tpu.memref_squeeze %dma_start3A_331 : memref<1x64xf32, #tpu.memory_space<hbm>> -> memref<64xf32, #tpu.memory_space<hbm>>
        tpu.enqueue_dma source(%dma_start3A_332 : memref<64xf32, #tpu.memory_space<hbm>>) target(%dma_start3A_329 : memref<64xf32, #tpu.memory_space<vmem>>) target_semaphore(%arg12 : memref<!tpu.dma_semaphore, #tpu.memory_space<semaphore_mem>>)
        %slice3A_333 = vector.extract_strided_slice %get3A_44 {offsets = [8], sizes = [1], strides = [1]} : vector<16xi32> to vector<1xi32>
        %squeeze3A_334 = vector.extract %slice3A_333[0] : i32 from vector<1xi32>
        %mul3A_335 = arith.constant 64 : i32
        %mul3A_336 = arith.muli %add3A_317, %mul3A_335 : i32
        %dma_start3A_337 = arith.constant 0 : i32
        %dma_start3A_338 = tpu.memref_slice %arg10[%dma_start3A_337, %mul3A_336] : memref<2x8192xf32, #tpu.memory_space<vmem>> -> memref<1x64xf32, #tpu.memory_space<vmem>>
        %dma_start3A_339 = tpu.memref_squeeze %dma_start3A_338 : memref<1x64xf32, #tpu.memory_space<vmem>> -> memref<64xf32, #tpu.memory_space<vmem>>
        %dma_start3A_340 = arith.constant 0 : i32
        %dma_start3A_341 = tpu.memref_slice %arg5[%squeeze3A_334, %dma_start3A_340] : memref<1000000x64xf32, #tpu.memory_space<hbm>> -> memref<1x64xf32, #tpu.memory_space<hbm>>
        %dma_start3A_342 = tpu.memref_squeeze %dma_start3A_341 : memref<1x64xf32, #tpu.memory_space<hbm>> -> memref<64xf32, #tpu.memory_space<hbm>>
        %dma_start3A_343 = tpu.memref_slice %arg10[%dma_start3A_337, %mul3A_336] : memref<2x8192xf32, #tpu.memory_space<vmem>> -> memref<1x64xf32, #tpu.memory_space<vmem>>
        %dma_start3A_344 = tpu.memref_squeeze %dma_start3A_343 : memref<1x64xf32, #tpu.memory_space<vmem>> -> memref<64xf32, #tpu.memory_space<vmem>>
        %dma_start3A_345 = arith.constant 0 : i32
        %dma_start3A_346 = tpu.memref_slice %arg5[%squeeze3A_334, %dma_start3A_345] : memref<1000000x64xf32, #tpu.memory_space<hbm>> -> memref<1x64xf32, #tpu.memory_space<hbm>>
        %dma_start3A_347 = tpu.memref_squeeze %dma_start3A_346 : memref<1x64xf32, #tpu.memory_space<hbm>> -> memref<64xf32, #tpu.memory_space<hbm>>
        tpu.enqueue_dma source(%dma_start3A_347 : memref<64xf32, #tpu.memory_space<hbm>>) target(%dma_start3A_344 : memref<64xf32, #tpu.memory_space<vmem>>) target_semaphore(%arg13 : memref<!tpu.dma_semaphore, #tpu.memory_space<semaphore_mem>>)
        %mul3A_348 = arith.constant 16 : i32
        %mul3A_349 = arith.muli %scan3A_35, %mul3A_348 : i32
        %add3A_350 = arith.constant 9 : i32
        %add3A_351 = arith.addi %mul3A_349, %add3A_350 : i32
        %slice3A_352 = vector.extract_strided_slice %get3A_42 {offsets = [9], sizes = [1], strides = [1]} : vector<16xi32> to vector<1xi32>
        %squeeze3A_353 = vector.extract %slice3A_352[0] : i32 from vector<1xi32>
        %mul3A_354 = arith.constant 64 : i32
        %mul3A_355 = arith.muli %add3A_351, %mul3A_354 : i32
        %dma_start3A_356 = arith.constant 0 : i32
        %dma_start3A_357 = tpu.memref_slice %arg9[%dma_start3A_356, %mul3A_355] : memref<2x8192xf32, #tpu.memory_space<vmem>> -> memref<1x64xf32, #tpu.memory_space<vmem>>
        %dma_start3A_358 = tpu.memref_squeeze %dma_start3A_357 : memref<1x64xf32, #tpu.memory_space<vmem>> -> memref<64xf32, #tpu.memory_space<vmem>>
        %dma_start3A_359 = arith.constant 0 : i32
        %dma_start3A_360 = tpu.memref_slice %arg4[%squeeze3A_353, %dma_start3A_359] : memref<1000000x64xf32, #tpu.memory_space<hbm>> -> memref<1x64xf32, #tpu.memory_space<hbm>>
        %dma_start3A_361 = tpu.memref_squeeze %dma_start3A_360 : memref<1x64xf32, #tpu.memory_space<hbm>> -> memref<64xf32, #tpu.memory_space<hbm>>
        %dma_start3A_362 = tpu.memref_slice %arg9[%dma_start3A_356, %mul3A_355] : memref<2x8192xf32, #tpu.memory_space<vmem>> -> memref<1x64xf32, #tpu.memory_space<vmem>>
        %dma_start3A_363 = tpu.memref_squeeze %dma_start3A_362 : memref<1x64xf32, #tpu.memory_space<vmem>> -> memref<64xf32, #tpu.memory_space<vmem>>
        %dma_start3A_364 = arith.constant 0 : i32
        %dma_start3A_365 = tpu.memref_slice %arg4[%squeeze3A_353, %dma_start3A_364] : memref<1000000x64xf32, #tpu.memory_space<hbm>> -> memref<1x64xf32, #tpu.memory_space<hbm>>
        %dma_start3A_366 = tpu.memref_squeeze %dma_start3A_365 : memref<1x64xf32, #tpu.memory_space<hbm>> -> memref<64xf32, #tpu.memory_space<hbm>>
        tpu.enqueue_dma source(%dma_start3A_366 : memref<64xf32, #tpu.memory_space<hbm>>) target(%dma_start3A_363 : memref<64xf32, #tpu.memory_space<vmem>>) target_semaphore(%arg12 : memref<!tpu.dma_semaphore, #tpu.memory_space<semaphore_mem>>)
        %slice3A_367 = vector.extract_strided_slice %get3A_44 {offsets = [9], sizes = [1], strides = [1]} : vector<16xi32> to vector<1xi32>
        %squeeze3A_368 = vector.extract %slice3A_367[0] : i32 from vector<1xi32>
        %mul3A_369 = arith.constant 64 : i32
        %mul3A_370 = arith.muli %add3A_351, %mul3A_369 : i32
        %dma_start3A_371 = arith.constant 0 : i32
        %dma_start3A_372 = tpu.memref_slice %arg10[%dma_start3A_371, %mul3A_370] : memref<2x8192xf32, #tpu.memory_space<vmem>> -> memref<1x64xf32, #tpu.memory_space<vmem>>
        %dma_start3A_373 = tpu.memref_squeeze %dma_start3A_372 : memref<1x64xf32, #tpu.memory_space<vmem>> -> memref<64xf32, #tpu.memory_space<vmem>>
        %dma_start3A_374 = arith.constant 0 : i32
        %dma_start3A_375 = tpu.memref_slice %arg5[%squeeze3A_368, %dma_start3A_374] : memref<1000000x64xf32, #tpu.memory_space<hbm>> -> memref<1x64xf32, #tpu.memory_space<hbm>>
        %dma_start3A_376 = tpu.memref_squeeze %dma_start3A_375 : memref<1x64xf32, #tpu.memory_space<hbm>> -> memref<64xf32, #tpu.memory_space<hbm>>
        %dma_start3A_377 = tpu.memref_slice %arg10[%dma_start3A_371, %mul3A_370] : memref<2x8192xf32, #tpu.memory_space<vmem>> -> memref<1x64xf32, #tpu.memory_space<vmem>>
        %dma_start3A_378 = tpu.memref_squeeze %dma_start3A_377 : memref<1x64xf32, #tpu.memory_space<vmem>> -> memref<64xf32, #tpu.memory_space<vmem>>
        %dma_start3A_379 = arith.constant 0 : i32
        %dma_start3A_380 = tpu.memref_slice %arg5[%squeeze3A_368, %dma_start3A_379] : memref<1000000x64xf32, #tpu.memory_space<hbm>> -> memref<1x64xf32, #tpu.memory_space<hbm>>
        %dma_start3A_381 = tpu.memref_squeeze %dma_start3A_380 : memref<1x64xf32, #tpu.memory_space<hbm>> -> memref<64xf32, #tpu.memory_space<hbm>>
        tpu.enqueue_dma source(%dma_start3A_381 : memref<64xf32, #tpu.memory_space<hbm>>) target(%dma_start3A_378 : memref<64xf32, #tpu.memory_space<vmem>>) target_semaphore(%arg13 : memref<!tpu.dma_semaphore, #tpu.memory_space<semaphore_mem>>)
        %mul3A_382 = arith.constant 16 : i32
        %mul3A_383 = arith.muli %scan3A_35, %mul3A_382 : i32
        %add3A_384 = arith.constant 10 : i32
        %add3A_385 = arith.addi %mul3A_383, %add3A_384 : i32
        %slice3A_386 = vector.extract_strided_slice %get3A_42 {offsets = [10], sizes = [1], strides = [1]} : vector<16xi32> to vector<1xi32>
        %squeeze3A_387 = vector.extract %slice3A_386[0] : i32 from vector<1xi32>
        %mul3A_388 = arith.constant 64 : i32
        %mul3A_389 = arith.muli %add3A_385, %mul3A_388 : i32
        %dma_start3A_390 = arith.constant 0 : i32
        %dma_start3A_391 = tpu.memref_slice %arg9[%dma_start3A_390, %mul3A_389] : memref<2x8192xf32, #tpu.memory_space<vmem>> -> memref<1x64xf32, #tpu.memory_space<vmem>>
        %dma_start3A_392 = tpu.memref_squeeze %dma_start3A_391 : memref<1x64xf32, #tpu.memory_space<vmem>> -> memref<64xf32, #tpu.memory_space<vmem>>
        %dma_start3A_393 = arith.constant 0 : i32
        %dma_start3A_394 = tpu.memref_slice %arg4[%squeeze3A_387, %dma_start3A_393] : memref<1000000x64xf32, #tpu.memory_space<hbm>> -> memref<1x64xf32, #tpu.memory_space<hbm>>
        %dma_start3A_395 = tpu.memref_squeeze %dma_start3A_394 : memref<1x64xf32, #tpu.memory_space<hbm>> -> memref<64xf32, #tpu.memory_space<hbm>>
        %dma_start3A_396 = tpu.memref_slice %arg9[%dma_start3A_390, %mul3A_389] : memref<2x8192xf32, #tpu.memory_space<vmem>> -> memref<1x64xf32, #tpu.memory_space<vmem>>
        %dma_start3A_397 = tpu.memref_squeeze %dma_start3A_396 : memref<1x64xf32, #tpu.memory_space<vmem>> -> memref<64xf32, #tpu.memory_space<vmem>>
        %dma_start3A_398 = arith.constant 0 : i32
        %dma_start3A_399 = tpu.memref_slice %arg4[%squeeze3A_387, %dma_start3A_398] : memref<1000000x64xf32, #tpu.memory_space<hbm>> -> memref<1x64xf32, #tpu.memory_space<hbm>>
        %dma_start3A_400 = tpu.memref_squeeze %dma_start3A_399 : memref<1x64xf32, #tpu.memory_space<hbm>> -> memref<64xf32, #tpu.memory_space<hbm>>
        tpu.enqueue_dma source(%dma_start3A_400 : memref<64xf32, #tpu.memory_space<hbm>>) target(%dma_start3A_397 : memref<64xf32, #tpu.memory_space<vmem>>) target_semaphore(%arg12 : memref<!tpu.dma_semaphore, #tpu.memory_space<semaphore_mem>>)
        %slice3A_401 = vector.extract_strided_slice %get3A_44 {offsets = [10], sizes = [1], strides = [1]} : vector<16xi32> to vector<1xi32>
        %squeeze3A_402 = vector.extract %slice3A_401[0] : i32 from vector<1xi32>
        %mul3A_403 = arith.constant 64 : i32
        %mul3A_404 = arith.muli %add3A_385, %mul3A_403 : i32
        %dma_start3A_405 = arith.constant 0 : i32
        %dma_start3A_406 = tpu.memref_slice %arg10[%dma_start3A_405, %mul3A_404] : memref<2x8192xf32, #tpu.memory_space<vmem>> -> memref<1x64xf32, #tpu.memory_space<vmem>>
        %dma_start3A_407 = tpu.memref_squeeze %dma_start3A_406 : memref<1x64xf32, #tpu.memory_space<vmem>> -> memref<64xf32, #tpu.memory_space<vmem>>
        %dma_start3A_408 = arith.constant 0 : i32
        %dma_start3A_409 = tpu.memref_slice %arg5[%squeeze3A_402, %dma_start3A_408] : memref<1000000x64xf32, #tpu.memory_space<hbm>> -> memref<1x64xf32, #tpu.memory_space<hbm>>
        %dma_start3A_410 = tpu.memref_squeeze %dma_start3A_409 : memref<1x64xf32, #tpu.memory_space<hbm>> -> memref<64xf32, #tpu.memory_space<hbm>>
        %dma_start3A_411 = tpu.memref_slice %arg10[%dma_start3A_405, %mul3A_404] : memref<2x8192xf32, #tpu.memory_space<vmem>> -> memref<1x64xf32, #tpu.memory_space<vmem>>
        %dma_start3A_412 = tpu.memref_squeeze %dma_start3A_411 : memref<1x64xf32, #tpu.memory_space<vmem>> -> memref<64xf32, #tpu.memory_space<vmem>>
        %dma_start3A_413 = arith.constant 0 : i32
        %dma_start3A_414 = tpu.memref_slice %arg5[%squeeze3A_402, %dma_start3A_413] : memref<1000000x64xf32, #tpu.memory_space<hbm>> -> memref<1x64xf32, #tpu.memory_space<hbm>>
        %dma_start3A_415 = tpu.memref_squeeze %dma_start3A_414 : memref<1x64xf32, #tpu.memory_space<hbm>> -> memref<64xf32, #tpu.memory_space<hbm>>
        tpu.enqueue_dma source(%dma_start3A_415 : memref<64xf32, #tpu.memory_space<hbm>>) target(%dma_start3A_412 : memref<64xf32, #tpu.memory_space<vmem>>) target_semaphore(%arg13 : memref<!tpu.dma_semaphore, #tpu.memory_space<semaphore_mem>>)
        %mul3A_416 = arith.constant 16 : i32
        %mul3A_417 = arith.muli %scan3A_35, %mul3A_416 : i32
        %add3A_418 = arith.constant 11 : i32
        %add3A_419 = arith.addi %mul3A_417, %add3A_418 : i32
        %slice3A_420 = vector.extract_strided_slice %get3A_42 {offsets = [11], sizes = [1], strides = [1]} : vector<16xi32> to vector<1xi32>
        %squeeze3A_421 = vector.extract %slice3A_420[0] : i32 from vector<1xi32>
        %mul3A_422 = arith.constant 64 : i32
        %mul3A_423 = arith.muli %add3A_419, %mul3A_422 : i32
        %dma_start3A_424 = arith.constant 0 : i32
        %dma_start3A_425 = tpu.memref_slice %arg9[%dma_start3A_424, %mul3A_423] : memref<2x8192xf32, #tpu.memory_space<vmem>> -> memref<1x64xf32, #tpu.memory_space<vmem>>
        %dma_start3A_426 = tpu.memref_squeeze %dma_start3A_425 : memref<1x64xf32, #tpu.memory_space<vmem>> -> memref<64xf32, #tpu.memory_space<vmem>>
        %dma_start3A_427 = arith.constant 0 : i32
        %dma_start3A_428 = tpu.memref_slice %arg4[%squeeze3A_421, %dma_start3A_427] : memref<1000000x64xf32, #tpu.memory_space<hbm>> -> memref<1x64xf32, #tpu.memory_space<hbm>>
        %dma_start3A_429 = tpu.memref_squeeze %dma_start3A_428 : memref<1x64xf32, #tpu.memory_space<hbm>> -> memref<64xf32, #tpu.memory_space<hbm>>
        %dma_start3A_430 = tpu.memref_slice %arg9[%dma_start3A_424, %mul3A_423] : memref<2x8192xf32, #tpu.memory_space<vmem>> -> memref<1x64xf32, #tpu.memory_space<vmem>>
        %dma_start3A_431 = tpu.memref_squeeze %dma_start3A_430 : memref<1x64xf32, #tpu.memory_space<vmem>> -> memref<64xf32, #tpu.memory_space<vmem>>
        %dma_start3A_432 = arith.constant 0 : i32
        %dma_start3A_433 = tpu.memref_slice %arg4[%squeeze3A_421, %dma_start3A_432] : memref<1000000x64xf32, #tpu.memory_space<hbm>> -> memref<1x64xf32, #tpu.memory_space<hbm>>
        %dma_start3A_434 = tpu.memref_squeeze %dma_start3A_433 : memref<1x64xf32, #tpu.memory_space<hbm>> -> memref<64xf32, #tpu.memory_space<hbm>>
        tpu.enqueue_dma source(%dma_start3A_434 : memref<64xf32, #tpu.memory_space<hbm>>) target(%dma_start3A_431 : memref<64xf32, #tpu.memory_space<vmem>>) target_semaphore(%arg12 : memref<!tpu.dma_semaphore, #tpu.memory_space<semaphore_mem>>)
        %slice3A_435 = vector.extract_strided_slice %get3A_44 {offsets = [11], sizes = [1], strides = [1]} : vector<16xi32> to vector<1xi32>
        %squeeze3A_436 = vector.extract %slice3A_435[0] : i32 from vector<1xi32>
        %mul3A_437 = arith.constant 64 : i32
        %mul3A_438 = arith.muli %add3A_419, %mul3A_437 : i32
        %dma_start3A_439 = arith.constant 0 : i32
        %dma_start3A_440 = tpu.memref_slice %arg10[%dma_start3A_439, %mul3A_438] : memref<2x8192xf32, #tpu.memory_space<vmem>> -> memref<1x64xf32, #tpu.memory_space<vmem>>
        %dma_start3A_441 = tpu.memref_squeeze %dma_start3A_440 : memref<1x64xf32, #tpu.memory_space<vmem>> -> memref<64xf32, #tpu.memory_space<vmem>>
        %dma_start3A_442 = arith.constant 0 : i32
        %dma_start3A_443 = tpu.memref_slice %arg5[%squeeze3A_436, %dma_start3A_442] : memref<1000000x64xf32, #tpu.memory_space<hbm>> -> memref<1x64xf32, #tpu.memory_space<hbm>>
        %dma_start3A_444 = tpu.memref_squeeze %dma_start3A_443 : memref<1x64xf32, #tpu.memory_space<hbm>> -> memref<64xf32, #tpu.memory_space<hbm>>
        %dma_start3A_445 = tpu.memref_slice %arg10[%dma_start3A_439, %mul3A_438] : memref<2x8192xf32, #tpu.memory_space<vmem>> -> memref<1x64xf32, #tpu.memory_space<vmem>>
        %dma_start3A_446 = tpu.memref_squeeze %dma_start3A_445 : memref<1x64xf32, #tpu.memory_space<vmem>> -> memref<64xf32, #tpu.memory_space<vmem>>
        %dma_start3A_447 = arith.constant 0 : i32
        %dma_start3A_448 = tpu.memref_slice %arg5[%squeeze3A_436, %dma_start3A_447] : memref<1000000x64xf32, #tpu.memory_space<hbm>> -> memref<1x64xf32, #tpu.memory_space<hbm>>
        %dma_start3A_449 = tpu.memref_squeeze %dma_start3A_448 : memref<1x64xf32, #tpu.memory_space<hbm>> -> memref<64xf32, #tpu.memory_space<hbm>>
        tpu.enqueue_dma source(%dma_start3A_449 : memref<64xf32, #tpu.memory_space<hbm>>) target(%dma_start3A_446 : memref<64xf32, #tpu.memory_space<vmem>>) target_semaphore(%arg13 : memref<!tpu.dma_semaphore, #tpu.memory_space<semaphore_mem>>)
        %mul3A_450 = arith.constant 16 : i32
        %mul3A_451 = arith.muli %scan3A_35, %mul3A_450 : i32
        %add3A_452 = arith.constant 12 : i32
        %add3A_453 = arith.addi %mul3A_451, %add3A_452 : i32
        %slice3A_454 = vector.extract_strided_slice %get3A_42 {offsets = [12], sizes = [1], strides = [1]} : vector<16xi32> to vector<1xi32>
        %squeeze3A_455 = vector.extract %slice3A_454[0] : i32 from vector<1xi32>
        %mul3A_456 = arith.constant 64 : i32
        %mul3A_457 = arith.muli %add3A_453, %mul3A_456 : i32
        %dma_start3A_458 = arith.constant 0 : i32
        %dma_start3A_459 = tpu.memref_slice %arg9[%dma_start3A_458, %mul3A_457] : memref<2x8192xf32, #tpu.memory_space<vmem>> -> memref<1x64xf32, #tpu.memory_space<vmem>>
        %dma_start3A_460 = tpu.memref_squeeze %dma_start3A_459 : memref<1x64xf32, #tpu.memory_space<vmem>> -> memref<64xf32, #tpu.memory_space<vmem>>
        %dma_start3A_461 = arith.constant 0 : i32
        %dma_start3A_462 = tpu.memref_slice %arg4[%squeeze3A_455, %dma_start3A_461] : memref<1000000x64xf32, #tpu.memory_space<hbm>> -> memref<1x64xf32, #tpu.memory_space<hbm>>
        %dma_start3A_463 = tpu.memref_squeeze %dma_start3A_462 : memref<1x64xf32, #tpu.memory_space<hbm>> -> memref<64xf32, #tpu.memory_space<hbm>>
        %dma_start3A_464 = tpu.memref_slice %arg9[%dma_start3A_458, %mul3A_457] : memref<2x8192xf32, #tpu.memory_space<vmem>> -> memref<1x64xf32, #tpu.memory_space<vmem>>
        %dma_start3A_465 = tpu.memref_squeeze %dma_start3A_464 : memref<1x64xf32, #tpu.memory_space<vmem>> -> memref<64xf32, #tpu.memory_space<vmem>>
        %dma_start3A_466 = arith.constant 0 : i32
        %dma_start3A_467 = tpu.memref_slice %arg4[%squeeze3A_455, %dma_start3A_466] : memref<1000000x64xf32, #tpu.memory_space<hbm>> -> memref<1x64xf32, #tpu.memory_space<hbm>>
        %dma_start3A_468 = tpu.memref_squeeze %dma_start3A_467 : memref<1x64xf32, #tpu.memory_space<hbm>> -> memref<64xf32, #tpu.memory_space<hbm>>
        tpu.enqueue_dma source(%dma_start3A_468 : memref<64xf32, #tpu.memory_space<hbm>>) target(%dma_start3A_465 : memref<64xf32, #tpu.memory_space<vmem>>) target_semaphore(%arg12 : memref<!tpu.dma_semaphore, #tpu.memory_space<semaphore_mem>>)
        %slice3A_469 = vector.extract_strided_slice %get3A_44 {offsets = [12], sizes = [1], strides = [1]} : vector<16xi32> to vector<1xi32>
        %squeeze3A_470 = vector.extract %slice3A_469[0] : i32 from vector<1xi32>
        %mul3A_471 = arith.constant 64 : i32
        %mul3A_472 = arith.muli %add3A_453, %mul3A_471 : i32
        %dma_start3A_473 = arith.constant 0 : i32
        %dma_start3A_474 = tpu.memref_slice %arg10[%dma_start3A_473, %mul3A_472] : memref<2x8192xf32, #tpu.memory_space<vmem>> -> memref<1x64xf32, #tpu.memory_space<vmem>>
        %dma_start3A_475 = tpu.memref_squeeze %dma_start3A_474 : memref<1x64xf32, #tpu.memory_space<vmem>> -> memref<64xf32, #tpu.memory_space<vmem>>
        %dma_start3A_476 = arith.constant 0 : i32
        %dma_start3A_477 = tpu.memref_slice %arg5[%squeeze3A_470, %dma_start3A_476] : memref<1000000x64xf32, #tpu.memory_space<hbm>> -> memref<1x64xf32, #tpu.memory_space<hbm>>
        %dma_start3A_478 = tpu.memref_squeeze %dma_start3A_477 : memref<1x64xf32, #tpu.memory_space<hbm>> -> memref<64xf32, #tpu.memory_space<hbm>>
        %dma_start3A_479 = tpu.memref_slice %arg10[%dma_start3A_473, %mul3A_472] : memref<2x8192xf32, #tpu.memory_space<vmem>> -> memref<1x64xf32, #tpu.memory_space<vmem>>
        %dma_start3A_480 = tpu.memref_squeeze %dma_start3A_479 : memref<1x64xf32, #tpu.memory_space<vmem>> -> memref<64xf32, #tpu.memory_space<vmem>>
        %dma_start3A_481 = arith.constant 0 : i32
        %dma_start3A_482 = tpu.memref_slice %arg5[%squeeze3A_470, %dma_start3A_481] : memref<1000000x64xf32, #tpu.memory_space<hbm>> -> memref<1x64xf32, #tpu.memory_space<hbm>>
        %dma_start3A_483 = tpu.memref_squeeze %dma_start3A_482 : memref<1x64xf32, #tpu.memory_space<hbm>> -> memref<64xf32, #tpu.memory_space<hbm>>
        tpu.enqueue_dma source(%dma_start3A_483 : memref<64xf32, #tpu.memory_space<hbm>>) target(%dma_start3A_480 : memref<64xf32, #tpu.memory_space<vmem>>) target_semaphore(%arg13 : memref<!tpu.dma_semaphore, #tpu.memory_space<semaphore_mem>>)
        %mul3A_484 = arith.constant 16 : i32
        %mul3A_485 = arith.muli %scan3A_35, %mul3A_484 : i32
        %add3A_486 = arith.constant 13 : i32
        %add3A_487 = arith.addi %mul3A_485, %add3A_486 : i32
        %slice3A_488 = vector.extract_strided_slice %get3A_42 {offsets = [13], sizes = [1], strides = [1]} : vector<16xi32> to vector<1xi32>
        %squeeze3A_489 = vector.extract %slice3A_488[0] : i32 from vector<1xi32>
        %mul3A_490 = arith.constant 64 : i32
        %mul3A_491 = arith.muli %add3A_487, %mul3A_490 : i32
        %dma_start3A_492 = arith.constant 0 : i32
        %dma_start3A_493 = tpu.memref_slice %arg9[%dma_start3A_492, %mul3A_491] : memref<2x8192xf32, #tpu.memory_space<vmem>> -> memref<1x64xf32, #tpu.memory_space<vmem>>
        %dma_start3A_494 = tpu.memref_squeeze %dma_start3A_493 : memref<1x64xf32, #tpu.memory_space<vmem>> -> memref<64xf32, #tpu.memory_space<vmem>>
        %dma_start3A_495 = arith.constant 0 : i32
        %dma_start3A_496 = tpu.memref_slice %arg4[%squeeze3A_489, %dma_start3A_495] : memref<1000000x64xf32, #tpu.memory_space<hbm>> -> memref<1x64xf32, #tpu.memory_space<hbm>>
        %dma_start3A_497 = tpu.memref_squeeze %dma_start3A_496 : memref<1x64xf32, #tpu.memory_space<hbm>> -> memref<64xf32, #tpu.memory_space<hbm>>
        %dma_start3A_498 = tpu.memref_slice %arg9[%dma_start3A_492, %mul3A_491] : memref<2x8192xf32, #tpu.memory_space<vmem>> -> memref<1x64xf32, #tpu.memory_space<vmem>>
        %dma_start3A_499 = tpu.memref_squeeze %dma_start3A_498 : memref<1x64xf32, #tpu.memory_space<vmem>> -> memref<64xf32, #tpu.memory_space<vmem>>
        %dma_start3A_500 = arith.constant 0 : i32
        %dma_start3A_501 = tpu.memref_slice %arg4[%squeeze3A_489, %dma_start3A_500] : memref<1000000x64xf32, #tpu.memory_space<hbm>> -> memref<1x64xf32, #tpu.memory_space<hbm>>
        %dma_start3A_502 = tpu.memref_squeeze %dma_start3A_501 : memref<1x64xf32, #tpu.memory_space<hbm>> -> memref<64xf32, #tpu.memory_space<hbm>>
        tpu.enqueue_dma source(%dma_start3A_502 : memref<64xf32, #tpu.memory_space<hbm>>) target(%dma_start3A_499 : memref<64xf32, #tpu.memory_space<vmem>>) target_semaphore(%arg12 : memref<!tpu.dma_semaphore, #tpu.memory_space<semaphore_mem>>)
        %slice3A_503 = vector.extract_strided_slice %get3A_44 {offsets = [13], sizes = [1], strides = [1]} : vector<16xi32> to vector<1xi32>
        %squeeze3A_504 = vector.extract %slice3A_503[0] : i32 from vector<1xi32>
        %mul3A_505 = arith.constant 64 : i32
        %mul3A_506 = arith.muli %add3A_487, %mul3A_505 : i32
        %dma_start3A_507 = arith.constant 0 : i32
        %dma_start3A_508 = tpu.memref_slice %arg10[%dma_start3A_507, %mul3A_506] : memref<2x8192xf32, #tpu.memory_space<vmem>> -> memref<1x64xf32, #tpu.memory_space<vmem>>
        %dma_start3A_509 = tpu.memref_squeeze %dma_start3A_508 : memref<1x64xf32, #tpu.memory_space<vmem>> -> memref<64xf32, #tpu.memory_space<vmem>>
        %dma_start3A_510 = arith.constant 0 : i32
        %dma_start3A_511 = tpu.memref_slice %arg5[%squeeze3A_504, %dma_start3A_510] : memref<1000000x64xf32, #tpu.memory_space<hbm>> -> memref<1x64xf32, #tpu.memory_space<hbm>>
        %dma_start3A_512 = tpu.memref_squeeze %dma_start3A_511 : memref<1x64xf32, #tpu.memory_space<hbm>> -> memref<64xf32, #tpu.memory_space<hbm>>
        %dma_start3A_513 = tpu.memref_slice %arg10[%dma_start3A_507, %mul3A_506] : memref<2x8192xf32, #tpu.memory_space<vmem>> -> memref<1x64xf32, #tpu.memory_space<vmem>>
        %dma_start3A_514 = tpu.memref_squeeze %dma_start3A_513 : memref<1x64xf32, #tpu.memory_space<vmem>> -> memref<64xf32, #tpu.memory_space<vmem>>
        %dma_start3A_515 = arith.constant 0 : i32
        %dma_start3A_516 = tpu.memref_slice %arg5[%squeeze3A_504, %dma_start3A_515] : memref<1000000x64xf32, #tpu.memory_space<hbm>> -> memref<1x64xf32, #tpu.memory_space<hbm>>
        %dma_start3A_517 = tpu.memref_squeeze %dma_start3A_516 : memref<1x64xf32, #tpu.memory_space<hbm>> -> memref<64xf32, #tpu.memory_space<hbm>>
        tpu.enqueue_dma source(%dma_start3A_517 : memref<64xf32, #tpu.memory_space<hbm>>) target(%dma_start3A_514 : memref<64xf32, #tpu.memory_space<vmem>>) target_semaphore(%arg13 : memref<!tpu.dma_semaphore, #tpu.memory_space<semaphore_mem>>)
        %mul3A_518 = arith.constant 16 : i32
        %mul3A_519 = arith.muli %scan3A_35, %mul3A_518 : i32
        %add3A_520 = arith.constant 14 : i32
        %add3A_521 = arith.addi %mul3A_519, %add3A_520 : i32
        %slice3A_522 = vector.extract_strided_slice %get3A_42 {offsets = [14], sizes = [1], strides = [1]} : vector<16xi32> to vector<1xi32>
        %squeeze3A_523 = vector.extract %slice3A_522[0] : i32 from vector<1xi32>
        %mul3A_524 = arith.constant 64 : i32
        %mul3A_525 = arith.muli %add3A_521, %mul3A_524 : i32
        %dma_start3A_526 = arith.constant 0 : i32
        %dma_start3A_527 = tpu.memref_slice %arg9[%dma_start3A_526, %mul3A_525] : memref<2x8192xf32, #tpu.memory_space<vmem>> -> memref<1x64xf32, #tpu.memory_space<vmem>>
        %dma_start3A_528 = tpu.memref_squeeze %dma_start3A_527 : memref<1x64xf32, #tpu.memory_space<vmem>> -> memref<64xf32, #tpu.memory_space<vmem>>
        %dma_start3A_529 = arith.constant 0 : i32
        %dma_start3A_530 = tpu.memref_slice %arg4[%squeeze3A_523, %dma_start3A_529] : memref<1000000x64xf32, #tpu.memory_space<hbm>> -> memref<1x64xf32, #tpu.memory_space<hbm>>
        %dma_start3A_531 = tpu.memref_squeeze %dma_start3A_530 : memref<1x64xf32, #tpu.memory_space<hbm>> -> memref<64xf32, #tpu.memory_space<hbm>>
        %dma_start3A_532 = tpu.memref_slice %arg9[%dma_start3A_526, %mul3A_525] : memref<2x8192xf32, #tpu.memory_space<vmem>> -> memref<1x64xf32, #tpu.memory_space<vmem>>
        %dma_start3A_533 = tpu.memref_squeeze %dma_start3A_532 : memref<1x64xf32, #tpu.memory_space<vmem>> -> memref<64xf32, #tpu.memory_space<vmem>>
        %dma_start3A_534 = arith.constant 0 : i32
        %dma_start3A_535 = tpu.memref_slice %arg4[%squeeze3A_523, %dma_start3A_534] : memref<1000000x64xf32, #tpu.memory_space<hbm>> -> memref<1x64xf32, #tpu.memory_space<hbm>>
        %dma_start3A_536 = tpu.memref_squeeze %dma_start3A_535 : memref<1x64xf32, #tpu.memory_space<hbm>> -> memref<64xf32, #tpu.memory_space<hbm>>
        tpu.enqueue_dma source(%dma_start3A_536 : memref<64xf32, #tpu.memory_space<hbm>>) target(%dma_start3A_533 : memref<64xf32, #tpu.memory_space<vmem>>) target_semaphore(%arg12 : memref<!tpu.dma_semaphore, #tpu.memory_space<semaphore_mem>>)
        %slice3A_537 = vector.extract_strided_slice %get3A_44 {offsets = [14], sizes = [1], strides = [1]} : vector<16xi32> to vector<1xi32>
        %squeeze3A_538 = vector.extract %slice3A_537[0] : i32 from vector<1xi32>
        %mul3A_539 = arith.constant 64 : i32
        %mul3A_540 = arith.muli %add3A_521, %mul3A_539 : i32
        %dma_start3A_541 = arith.constant 0 : i32
        %dma_start3A_542 = tpu.memref_slice %arg10[%dma_start3A_541, %mul3A_540] : memref<2x8192xf32, #tpu.memory_space<vmem>> -> memref<1x64xf32, #tpu.memory_space<vmem>>
        %dma_start3A_543 = tpu.memref_squeeze %dma_start3A_542 : memref<1x64xf32, #tpu.memory_space<vmem>> -> memref<64xf32, #tpu.memory_space<vmem>>
        %dma_start3A_544 = arith.constant 0 : i32
        %dma_start3A_545 = tpu.memref_slice %arg5[%squeeze3A_538, %dma_start3A_544] : memref<1000000x64xf32, #tpu.memory_space<hbm>> -> memref<1x64xf32, #tpu.memory_space<hbm>>
        %dma_start3A_546 = tpu.memref_squeeze %dma_start3A_545 : memref<1x64xf32, #tpu.memory_space<hbm>> -> memref<64xf32, #tpu.memory_space<hbm>>
        %dma_start3A_547 = tpu.memref_slice %arg10[%dma_start3A_541, %mul3A_540] : memref<2x8192xf32, #tpu.memory_space<vmem>> -> memref<1x64xf32, #tpu.memory_space<vmem>>
        %dma_start3A_548 = tpu.memref_squeeze %dma_start3A_547 : memref<1x64xf32, #tpu.memory_space<vmem>> -> memref<64xf32, #tpu.memory_space<vmem>>
        %dma_start3A_549 = arith.constant 0 : i32
        %dma_start3A_550 = tpu.memref_slice %arg5[%squeeze3A_538, %dma_start3A_549] : memref<1000000x64xf32, #tpu.memory_space<hbm>> -> memref<1x64xf32, #tpu.memory_space<hbm>>
        %dma_start3A_551 = tpu.memref_squeeze %dma_start3A_550 : memref<1x64xf32, #tpu.memory_space<hbm>> -> memref<64xf32, #tpu.memory_space<hbm>>
        tpu.enqueue_dma source(%dma_start3A_551 : memref<64xf32, #tpu.memory_space<hbm>>) target(%dma_start3A_548 : memref<64xf32, #tpu.memory_space<vmem>>) target_semaphore(%arg13 : memref<!tpu.dma_semaphore, #tpu.memory_space<semaphore_mem>>)
        %mul3A_552 = arith.constant 16 : i32
        %mul3A_553 = arith.muli %scan3A_35, %mul3A_552 : i32
        %add3A_554 = arith.constant 15 : i32
        %add3A_555 = arith.addi %mul3A_553, %add3A_554 : i32
        %slice3A_556 = vector.extract_strided_slice %get3A_42 {offsets = [15], sizes = [1], strides = [1]} : vector<16xi32> to vector<1xi32>
        %squeeze3A_557 = vector.extract %slice3A_556[0] : i32 from vector<1xi32>
        %mul3A_558 = arith.constant 64 : i32
        %mul3A_559 = arith.muli %add3A_555, %mul3A_558 : i32
        %dma_start3A_560 = arith.constant 0 : i32
        %dma_start3A_561 = tpu.memref_slice %arg9[%dma_start3A_560, %mul3A_559] : memref<2x8192xf32, #tpu.memory_space<vmem>> -> memref<1x64xf32, #tpu.memory_space<vmem>>
        %dma_start3A_562 = tpu.memref_squeeze %dma_start3A_561 : memref<1x64xf32, #tpu.memory_space<vmem>> -> memref<64xf32, #tpu.memory_space<vmem>>
        %dma_start3A_563 = arith.constant 0 : i32
        %dma_start3A_564 = tpu.memref_slice %arg4[%squeeze3A_557, %dma_start3A_563] : memref<1000000x64xf32, #tpu.memory_space<hbm>> -> memref<1x64xf32, #tpu.memory_space<hbm>>
        %dma_start3A_565 = tpu.memref_squeeze %dma_start3A_564 : memref<1x64xf32, #tpu.memory_space<hbm>> -> memref<64xf32, #tpu.memory_space<hbm>>
        %dma_start3A_566 = tpu.memref_slice %arg9[%dma_start3A_560, %mul3A_559] : memref<2x8192xf32, #tpu.memory_space<vmem>> -> memref<1x64xf32, #tpu.memory_space<vmem>>
        %dma_start3A_567 = tpu.memref_squeeze %dma_start3A_566 : memref<1x64xf32, #tpu.memory_space<vmem>> -> memref<64xf32, #tpu.memory_space<vmem>>
        %dma_start3A_568 = arith.constant 0 : i32
        %dma_start3A_569 = tpu.memref_slice %arg4[%squeeze3A_557, %dma_start3A_568] : memref<1000000x64xf32, #tpu.memory_space<hbm>> -> memref<1x64xf32, #tpu.memory_space<hbm>>
        %dma_start3A_570 = tpu.memref_squeeze %dma_start3A_569 : memref<1x64xf32, #tpu.memory_space<hbm>> -> memref<64xf32, #tpu.memory_space<hbm>>
        tpu.enqueue_dma source(%dma_start3A_570 : memref<64xf32, #tpu.memory_space<hbm>>) target(%dma_start3A_567 : memref<64xf32, #tpu.memory_space<vmem>>) target_semaphore(%arg12 : memref<!tpu.dma_semaphore, #tpu.memory_space<semaphore_mem>>)
        %slice3A_571 = vector.extract_strided_slice %get3A_44 {offsets = [15], sizes = [1], strides = [1]} : vector<16xi32> to vector<1xi32>
        %squeeze3A_572 = vector.extract %slice3A_571[0] : i32 from vector<1xi32>
        %mul3A_573 = arith.constant 64 : i32
        %mul3A_574 = arith.muli %add3A_555, %mul3A_573 : i32
        %dma_start3A_575 = arith.constant 0 : i32
        %dma_start3A_576 = tpu.memref_slice %arg10[%dma_start3A_575, %mul3A_574] : memref<2x8192xf32, #tpu.memory_space<vmem>> -> memref<1x64xf32, #tpu.memory_space<vmem>>
        %dma_start3A_577 = tpu.memref_squeeze %dma_start3A_576 : memref<1x64xf32, #tpu.memory_space<vmem>> -> memref<64xf32, #tpu.memory_space<vmem>>
        %dma_start3A_578 = arith.constant 0 : i32
        %dma_start3A_579 = tpu.memref_slice %arg5[%squeeze3A_572, %dma_start3A_578] : memref<1000000x64xf32, #tpu.memory_space<hbm>> -> memref<1x64xf32, #tpu.memory_space<hbm>>
        %dma_start3A_580 = tpu.memref_squeeze %dma_start3A_579 : memref<1x64xf32, #tpu.memory_space<hbm>> -> memref<64xf32, #tpu.memory_space<hbm>>
        %dma_start3A_581 = tpu.memref_slice %arg10[%dma_start3A_575, %mul3A_574] : memref<2x8192xf32, #tpu.memory_space<vmem>> -> memref<1x64xf32, #tpu.memory_space<vmem>>
        %dma_start3A_582 = tpu.memref_squeeze %dma_start3A_581 : memref<1x64xf32, #tpu.memory_space<vmem>> -> memref<64xf32, #tpu.memory_space<vmem>>
        %dma_start3A_583 = arith.constant 0 : i32
        %dma_start3A_584 = tpu.memref_slice %arg5[%squeeze3A_572, %dma_start3A_583] : memref<1000000x64xf32, #tpu.memory_space<hbm>> -> memref<1x64xf32, #tpu.memory_space<hbm>>
        %dma_start3A_585 = tpu.memref_squeeze %dma_start3A_584 : memref<1x64xf32, #tpu.memory_space<hbm>> -> memref<64xf32, #tpu.memory_space<hbm>>
        tpu.enqueue_dma source(%dma_start3A_585 : memref<64xf32, #tpu.memory_space<hbm>>) target(%dma_start3A_582 : memref<64xf32, #tpu.memory_space<vmem>>) target_semaphore(%arg13 : memref<!tpu.dma_semaphore, #tpu.memory_space<semaphore_mem>>)
        %scan3A_586 = arith.constant 0 : i32
        scf.yield %scan3A_586 : i32
      }
      %scan3A_19 = arith.constant 8 : i32
      %scan3A_20 = arith.constant 0 : i32
      %scan3A_21 = arith.constant 0 : i32
      %scan3A_22 = arith.constant 128 : i32
      %scan3A_23 = arith.addi %scan3A_21, %scan3A_22 : i32
      %scan3A_24 = arith.constant 2 : i32
      %scan3A_25 = scf.for %scan3A_35 = %scan3A_21 to %scan3A_23 step %scan3A_24 iter_args(%scan3A_36 = %scan3A_20) -> (i32)  : i32 {
        %mul3A_37 = arith.constant 64 : i32
        %mul3A_38 = arith.muli %scan3A_35, %mul3A_37 : i32
        %dma_wait3A = arith.constant 0 : i32
        %dma_wait3A_39 = arith.constant 0 : i32
        %dma_wait3A_40 = tpu.memref_slice %arg9[%dma_wait3A_39, %mul3A_38] : memref<2x8192xf32, #tpu.memory_space<vmem>> -> memref<1x64xf32, #tpu.memory_space<vmem>>
        %dma_wait3A_41 = tpu.memref_squeeze %dma_wait3A_40 : memref<1x64xf32, #tpu.memory_space<vmem>> -> memref<64xf32, #tpu.memory_space<vmem>>
        %dma_wait3A_42 = arith.constant 0 : i32
        %dma_wait3A_43 = tpu.memref_slice %arg4[%dma_wait3A, %dma_wait3A_42] : memref<1000000x64xf32, #tpu.memory_space<hbm>> -> memref<1x64xf32, #tpu.memory_space<hbm>>
        %dma_wait3A_44 = tpu.memref_squeeze %dma_wait3A_43 : memref<1x64xf32, #tpu.memory_space<hbm>> -> memref<64xf32, #tpu.memory_space<hbm>>
        %dma_wait3A_45 = tpu.memref_slice %arg9[%dma_wait3A_39, %mul3A_38] : memref<2x8192xf32, #tpu.memory_space<vmem>> -> memref<1x64xf32, #tpu.memory_space<vmem>>
        %dma_wait3A_46 = tpu.memref_squeeze %dma_wait3A_45 : memref<1x64xf32, #tpu.memory_space<vmem>> -> memref<64xf32, #tpu.memory_space<vmem>>
        %dma_wait3A_47 = arith.constant 0 : i32
        %dma_wait3A_48 = tpu.memref_slice %arg4[%dma_wait3A, %dma_wait3A_47] : memref<1000000x64xf32, #tpu.memory_space<hbm>> -> memref<1x64xf32, #tpu.memory_space<hbm>>
        %dma_wait3A_49 = tpu.memref_squeeze %dma_wait3A_48 : memref<1x64xf32, #tpu.memory_space<hbm>> -> memref<64xf32, #tpu.memory_space<hbm>>
        tpu.wait_dma2 semaphore(%arg12 : memref<!tpu.dma_semaphore, #tpu.memory_space<semaphore_mem>>) src(%dma_wait3A_49 : memref<64xf32, #tpu.memory_space<hbm>>) dst(%dma_wait3A_46 : memref<64xf32, #tpu.memory_space<vmem>>)
        %mul3A_50 = arith.constant 64 : i32
        %mul3A_51 = arith.muli %scan3A_35, %mul3A_50 : i32
        %dma_wait3A_52 = arith.constant 0 : i32
        %dma_wait3A_53 = arith.constant 0 : i32
        %dma_wait3A_54 = tpu.memref_slice %arg10[%dma_wait3A_53, %mul3A_51] : memref<2x8192xf32, #tpu.memory_space<vmem>> -> memref<1x64xf32, #tpu.memory_space<vmem>>
        %dma_wait3A_55 = tpu.memref_squeeze %dma_wait3A_54 : memref<1x64xf32, #tpu.memory_space<vmem>> -> memref<64xf32, #tpu.memory_space<vmem>>
        %dma_wait3A_56 = arith.constant 0 : i32
        %dma_wait3A_57 = tpu.memref_slice %arg5[%dma_wait3A_52, %dma_wait3A_56] : memref<1000000x64xf32, #tpu.memory_space<hbm>> -> memref<1x64xf32, #tpu.memory_space<hbm>>
        %dma_wait3A_58 = tpu.memref_squeeze %dma_wait3A_57 : memref<1x64xf32, #tpu.memory_space<hbm>> -> memref<64xf32, #tpu.memory_space<hbm>>
        %dma_wait3A_59 = tpu.memref_slice %arg10[%dma_wait3A_53, %mul3A_51] : memref<2x8192xf32, #tpu.memory_space<vmem>> -> memref<1x64xf32, #tpu.memory_space<vmem>>
        %dma_wait3A_60 = tpu.memref_squeeze %dma_wait3A_59 : memref<1x64xf32, #tpu.memory_space<vmem>> -> memref<64xf32, #tpu.memory_space<vmem>>
        %dma_wait3A_61 = arith.constant 0 : i32
        %dma_wait3A_62 = tpu.memref_slice %arg5[%dma_wait3A_52, %dma_wait3A_61] : memref<1000000x64xf32, #tpu.memory_space<hbm>> -> memref<1x64xf32, #tpu.memory_space<hbm>>
        %dma_wait3A_63 = tpu.memref_squeeze %dma_wait3A_62 : memref<1x64xf32, #tpu.memory_space<hbm>> -> memref<64xf32, #tpu.memory_space<hbm>>
        tpu.wait_dma2 semaphore(%arg13 : memref<!tpu.dma_semaphore, #tpu.memory_space<semaphore_mem>>) src(%dma_wait3A_63 : memref<64xf32, #tpu.memory_space<hbm>>) dst(%dma_wait3A_60 : memref<64xf32, #tpu.memory_space<vmem>>)
        %scan3A_64 = arith.constant 0 : i32
        %scan3A_65 = arith.constant 1 : i32
        %scan3A_66 = arith.addi %scan3A_35, %scan3A_65 : i32
        %mul3A_67 = arith.constant 64 : i32
        %mul3A_68 = arith.muli %scan3A_66, %mul3A_67 : i32
        %dma_wait3A_69 = arith.constant 0 : i32
        %dma_wait3A_70 = arith.constant 0 : i32
        %dma_wait3A_71 = tpu.memref_slice %arg9[%dma_wait3A_70, %mul3A_68] : memref<2x8192xf32, #tpu.memory_space<vmem>> -> memref<1x64xf32, #tpu.memory_space<vmem>>
        %dma_wait3A_72 = tpu.memref_squeeze %dma_wait3A_71 : memref<1x64xf32, #tpu.memory_space<vmem>> -> memref<64xf32, #tpu.memory_space<vmem>>
        %dma_wait3A_73 = arith.constant 0 : i32
        %dma_wait3A_74 = tpu.memref_slice %arg4[%dma_wait3A_69, %dma_wait3A_73] : memref<1000000x64xf32, #tpu.memory_space<hbm>> -> memref<1x64xf32, #tpu.memory_space<hbm>>
        %dma_wait3A_75 = tpu.memref_squeeze %dma_wait3A_74 : memref<1x64xf32, #tpu.memory_space<hbm>> -> memref<64xf32, #tpu.memory_space<hbm>>
        %dma_wait3A_76 = tpu.memref_slice %arg9[%dma_wait3A_70, %mul3A_68] : memref<2x8192xf32, #tpu.memory_space<vmem>> -> memref<1x64xf32, #tpu.memory_space<vmem>>
        %dma_wait3A_77 = tpu.memref_squeeze %dma_wait3A_76 : memref<1x64xf32, #tpu.memory_space<vmem>> -> memref<64xf32, #tpu.memory_space<vmem>>
        %dma_wait3A_78 = arith.constant 0 : i32
        %dma_wait3A_79 = tpu.memref_slice %arg4[%dma_wait3A_69, %dma_wait3A_78] : memref<1000000x64xf32, #tpu.memory_space<hbm>> -> memref<1x64xf32, #tpu.memory_space<hbm>>
        %dma_wait3A_80 = tpu.memref_squeeze %dma_wait3A_79 : memref<1x64xf32, #tpu.memory_space<hbm>> -> memref<64xf32, #tpu.memory_space<hbm>>
        tpu.wait_dma2 semaphore(%arg12 : memref<!tpu.dma_semaphore, #tpu.memory_space<semaphore_mem>>) src(%dma_wait3A_80 : memref<64xf32, #tpu.memory_space<hbm>>) dst(%dma_wait3A_77 : memref<64xf32, #tpu.memory_space<vmem>>)
        %mul3A_81 = arith.constant 64 : i32
        %mul3A_82 = arith.muli %scan3A_66, %mul3A_81 : i32
        %dma_wait3A_83 = arith.constant 0 : i32
        %dma_wait3A_84 = arith.constant 0 : i32
        %dma_wait3A_85 = tpu.memref_slice %arg10[%dma_wait3A_84, %mul3A_82] : memref<2x8192xf32, #tpu.memory_space<vmem>> -> memref<1x64xf32, #tpu.memory_space<vmem>>
        %dma_wait3A_86 = tpu.memref_squeeze %dma_wait3A_85 : memref<1x64xf32, #tpu.memory_space<vmem>> -> memref<64xf32, #tpu.memory_space<vmem>>
        %dma_wait3A_87 = arith.constant 0 : i32
        %dma_wait3A_88 = tpu.memref_slice %arg5[%dma_wait3A_83, %dma_wait3A_87] : memref<1000000x64xf32, #tpu.memory_space<hbm>> -> memref<1x64xf32, #tpu.memory_space<hbm>>
        %dma_wait3A_89 = tpu.memref_squeeze %dma_wait3A_88 : memref<1x64xf32, #tpu.memory_space<hbm>> -> memref<64xf32, #tpu.memory_space<hbm>>
        %dma_wait3A_90 = tpu.memref_slice %arg10[%dma_wait3A_84, %mul3A_82] : memref<2x8192xf32, #tpu.memory_space<vmem>> -> memref<1x64xf32, #tpu.memory_space<vmem>>
        %dma_wait3A_91 = tpu.memref_squeeze %dma_wait3A_90 : memref<1x64xf32, #tpu.memory_space<vmem>> -> memref<64xf32, #tpu.memory_space<vmem>>
        %dma_wait3A_92 = arith.constant 0 : i32
        %dma_wait3A_93 = tpu.memref_slice %arg5[%dma_wait3A_83, %dma_wait3A_92] : memref<1000000x64xf32, #tpu.memory_space<hbm>> -> memref<1x64xf32, #tpu.memory_space<hbm>>
        %dma_wait3A_94 = tpu.memref_squeeze %dma_wait3A_93 : memref<1x64xf32, #tpu.memory_space<hbm>> -> memref<64xf32, #tpu.memory_space<hbm>>
        tpu.wait_dma2 semaphore(%arg13 : memref<!tpu.dma_semaphore, #tpu.memory_space<semaphore_mem>>) src(%dma_wait3A_94 : memref<64xf32, #tpu.memory_space<hbm>>) dst(%dma_wait3A_91 : memref<64xf32, #tpu.memory_space<vmem>>)
        %scan3A_95 = arith.constant 0 : i32
        scf.yield %scan3A_95 : i32
      }
      %scan3A_26 = arith.constant 128 : i32
      %scan3A_27 = arith.constant 0 : i32
      %scan3A_28 = arith.constant 0 : i32
      %scan3A_29 = arith.constant 128 : i32
      %scan3A_30 = arith.addi %scan3A_28, %scan3A_29 : i32
      %scan3A_31 = arith.constant 4 : i32
      %scan3A_32 = scf.for %scan3A_35 = %scan3A_28 to %scan3A_30 step %scan3A_31 iter_args(%scan3A_36 = %scan3A_27) -> (i32)  : i32 {
        %broadcast_in_dim3A = arith.constant 0.000000e+00 : f32
        %broadcast_in_dim3A_37 = vector.broadcast %broadcast_in_dim3A : f32 to vector<16xf32>
        %mul3A_38 = arith.constant 64 : i32
        %mul3A_39 = arith.muli %scan3A_35, %mul3A_38 : i32
        %add3A_40 = arith.constant 0 : i32
        %add3A_41 = arith.addi %mul3A_39, %add3A_40 : i32
        %get3A = arith.constant 0 : i32
        %get3A_42 = arith.index_cast %get3A : i32 to index
        %get3A_43 = arith.index_cast %add3A_41 : i32 to index
        %get3A_44 = tpu.vector_load %arg9[%get3A_42, %get3A_43] {strides = array<i32>} : memref<2x8192xf32, #tpu.memory_space<vmem>>, vector<16xf32>,
        %mul3A_45 = arith.constant 64 : i32
        %mul3A_46 = arith.muli %scan3A_35, %mul3A_45 : i32
        %add3A_47 = arith.constant 0 : i32
        %add3A_48 = arith.addi %mul3A_46, %add3A_47 : i32
        %get3A_49 = arith.constant 0 : i32
        %get3A_50 = arith.index_cast %get3A_49 : i32 to index
        %get3A_51 = arith.index_cast %add3A_48 : i32 to index
        %get3A_52 = tpu.vector_load %arg10[%get3A_50, %get3A_51] {strides = array<i32>} : memref<2x8192xf32, #tpu.memory_space<vmem>>, vector<16xf32>,
        %mul3A_53 = arith.mulf %get3A_44, %get3A_52 : vector<16xf32>
        %add3A_54 = arith.addf %broadcast_in_dim3A_37, %mul3A_53 : vector<16xf32>
        %mul3A_55 = arith.constant 64 : i32
        %mul3A_56 = arith.muli %scan3A_35, %mul3A_55 : i32
        %add3A_57 = arith.constant 16 : i32
        %add3A_58 = arith.addi %mul3A_56, %add3A_57 : i32
        %get3A_59 = arith.constant 0 : i32
        %get3A_60 = arith.index_cast %get3A_59 : i32 to index
        %get3A_61 = arith.index_cast %add3A_58 : i32 to index
        %get3A_62 = tpu.vector_load %arg9[%get3A_60, %get3A_61] {strides = array<i32>} : memref<2x8192xf32, #tpu.memory_space<vmem>>, vector<16xf32>,
        %mul3A_63 = arith.constant 64 : i32
        %mul3A_64 = arith.muli %scan3A_35, %mul3A_63 : i32
        %add3A_65 = arith.constant 16 : i32
        %add3A_66 = arith.addi %mul3A_64, %add3A_65 : i32
        %get3A_67 = arith.constant 0 : i32
        %get3A_68 = arith.index_cast %get3A_67 : i32 to index
        %get3A_69 = arith.index_cast %add3A_66 : i32 to index
        %get3A_70 = tpu.vector_load %arg10[%get3A_68, %get3A_69] {strides = array<i32>} : memref<2x8192xf32, #tpu.memory_space<vmem>>, vector<16xf32>,
        %mul3A_71 = arith.mulf %get3A_62, %get3A_70 : vector<16xf32>
        %add3A_72 = arith.addf %add3A_54, %mul3A_71 : vector<16xf32>
        %mul3A_73 = arith.constant 64 : i32
        %mul3A_74 = arith.muli %scan3A_35, %mul3A_73 : i32
        %add3A_75 = arith.constant 32 : i32
        %add3A_76 = arith.addi %mul3A_74, %add3A_75 : i32
        %get3A_77 = arith.constant 0 : i32
        %get3A_78 = arith.index_cast %get3A_77 : i32 to index
        %get3A_79 = arith.index_cast %add3A_76 : i32 to index
        %get3A_80 = tpu.vector_load %arg9[%get3A_78, %get3A_79] {strides = array<i32>} : memref<2x8192xf32, #tpu.memory_space<vmem>>, vector<16xf32>,
        %mul3A_81 = arith.constant 64 : i32
        %mul3A_82 = arith.muli %scan3A_35, %mul3A_81 : i32
        %add3A_83 = arith.constant 32 : i32
        %add3A_84 = arith.addi %mul3A_82, %add3A_83 : i32
        %get3A_85 = arith.constant 0 : i32
        %get3A_86 = arith.index_cast %get3A_85 : i32 to index
        %get3A_87 = arith.index_cast %add3A_84 : i32 to index
        %get3A_88 = tpu.vector_load %arg10[%get3A_86, %get3A_87] {strides = array<i32>} : memref<2x8192xf32, #tpu.memory_space<vmem>>, vector<16xf32>,
        %mul3A_89 = arith.mulf %get3A_80, %get3A_88 : vector<16xf32>
        %add3A_90 = arith.addf %add3A_72, %mul3A_89 : vector<16xf32>
        %mul3A_91 = arith.constant 64 : i32
        %mul3A_92 = arith.muli %scan3A_35, %mul3A_91 : i32
        %add3A_93 = arith.constant 48 : i32
        %add3A_94 = arith.addi %mul3A_92, %add3A_93 : i32
        %get3A_95 = arith.constant 0 : i32
        %get3A_96 = arith.index_cast %get3A_95 : i32 to index
        %get3A_97 = arith.index_cast %add3A_94 : i32 to index
        %get3A_98 = tpu.vector_load %arg9[%get3A_96, %get3A_97] {strides = array<i32>} : memref<2x8192xf32, #tpu.memory_space<vmem>>, vector<16xf32>,
        %mul3A_99 = arith.constant 64 : i32
        %mul3A_100 = arith.muli %scan3A_35, %mul3A_99 : i32
        %add3A_101 = arith.constant 48 : i32
        %add3A_102 = arith.addi %mul3A_100, %add3A_101 : i32
        %get3A_103 = arith.constant 0 : i32
        %get3A_104 = arith.index_cast %get3A_103 : i32 to index
        %get3A_105 = arith.index_cast %add3A_102 : i32 to index
        %get3A_106 = tpu.vector_load %arg10[%get3A_104, %get3A_105] {strides = array<i32>} : memref<2x8192xf32, #tpu.memory_space<vmem>>, vector<16xf32>,
        %mul3A_107 = arith.mulf %get3A_98, %get3A_106 : vector<16xf32>
        %add3A_108 = arith.addf %add3A_90, %mul3A_107 : vector<16xf32>
        %mul3A_109 = arith.constant 128 : i32
        %mul3A_110 = arith.muli %scan3A_11, %mul3A_109 : i32
        %add3A_111 = arith.addi %mul3A_110, %scan3A_35 : i32
        %broadcast_in_dim3A_112 = arith.constant true
        %broadcast_in_dim3A_113 = vector.broadcast %broadcast_in_dim3A_112 : i1 to vector<16xi1>
        %masked_cumsum3A = tpu.scan <sum>, %add3A_108 masked %broadcast_in_dim3A_113 : vector<16xf32>, vector<16xi1> -> vector<16xf32>
        %swap3A = arith.index_cast %add3A_111 : i32 to index
        %swap3A_114 = tpu.vector_load %arg11[%swap3A] masked %eq3A_4 {strides = array<i32>} : memref<528xf32, #tpu.memory_space<vmem>>, vector<16xf32>, vector<16xi1>
        tpu.vector_store %arg11[%swap3A], %masked_cumsum3A masked %eq3A_4 {strides = array<i32>} : memref<528xf32, #tpu.memory_space<vmem>>, vector<16xf32>, vector<16xi1>
        %scan3A_115 = arith.constant 0 : i32
        %scan3A_116 = arith.constant 1 : i32
        %scan3A_117 = arith.addi %scan3A_35, %scan3A_116 : i32
        %broadcast_in_dim3A_118 = arith.constant 0.000000e+00 : f32
        %broadcast_in_dim3A_119 = vector.broadcast %broadcast_in_dim3A_118 : f32 to vector<16xf32>
        %mul3A_120 = arith.constant 64 : i32
        %mul3A_121 = arith.muli %scan3A_117, %mul3A_120 : i32
        %add3A_122 = arith.constant 0 : i32
        %add3A_123 = arith.addi %mul3A_121, %add3A_122 : i32
        %get3A_124 = arith.constant 0 : i32
        %get3A_125 = arith.index_cast %get3A_124 : i32 to index
        %get3A_126 = arith.index_cast %add3A_123 : i32 to index
        %get3A_127 = tpu.vector_load %arg9[%get3A_125, %get3A_126] {strides = array<i32>} : memref<2x8192xf32, #tpu.memory_space<vmem>>, vector<16xf32>,
        %mul3A_128 = arith.constant 64 : i32
        %mul3A_129 = arith.muli %scan3A_117, %mul3A_128 : i32
        %add3A_130 = arith.constant 0 : i32
        %add3A_131 = arith.addi %mul3A_129, %add3A_130 : i32
        %get3A_132 = arith.constant 0 : i32
        %get3A_133 = arith.index_cast %get3A_132 : i32 to index
        %get3A_134 = arith.index_cast %add3A_131 : i32 to index
        %get3A_135 = tpu.vector_load %arg10[%get3A_133, %get3A_134] {strides = array<i32>} : memref<2x8192xf32, #tpu.memory_space<vmem>>, vector<16xf32>,
        %mul3A_136 = arith.mulf %get3A_127, %get3A_135 : vector<16xf32>
        %add3A_137 = arith.addf %broadcast_in_dim3A_119, %mul3A_136 : vector<16xf32>
        %mul3A_138 = arith.constant 64 : i32
        %mul3A_139 = arith.muli %scan3A_117, %mul3A_138 : i32
        %add3A_140 = arith.constant 16 : i32
        %add3A_141 = arith.addi %mul3A_139, %add3A_140 : i32
        %get3A_142 = arith.constant 0 : i32
        %get3A_143 = arith.index_cast %get3A_142 : i32 to index
        %get3A_144 = arith.index_cast %add3A_141 : i32 to index
        %get3A_145 = tpu.vector_load %arg9[%get3A_143, %get3A_144] {strides = array<i32>} : memref<2x8192xf32, #tpu.memory_space<vmem>>, vector<16xf32>,
        %mul3A_146 = arith.constant 64 : i32
        %mul3A_147 = arith.muli %scan3A_117, %mul3A_146 : i32
        %add3A_148 = arith.constant 16 : i32
        %add3A_149 = arith.addi %mul3A_147, %add3A_148 : i32
        %get3A_150 = arith.constant 0 : i32
        %get3A_151 = arith.index_cast %get3A_150 : i32 to index
        %get3A_152 = arith.index_cast %add3A_149 : i32 to index
        %get3A_153 = tpu.vector_load %arg10[%get3A_151, %get3A_152] {strides = array<i32>} : memref<2x8192xf32, #tpu.memory_space<vmem>>, vector<16xf32>,
        %mul3A_154 = arith.mulf %get3A_145, %get3A_153 : vector<16xf32>
        %add3A_155 = arith.addf %add3A_137, %mul3A_154 : vector<16xf32>
        %mul3A_156 = arith.constant 64 : i32
        %mul3A_157 = arith.muli %scan3A_117, %mul3A_156 : i32
        %add3A_158 = arith.constant 32 : i32
        %add3A_159 = arith.addi %mul3A_157, %add3A_158 : i32
        %get3A_160 = arith.constant 0 : i32
        %get3A_161 = arith.index_cast %get3A_160 : i32 to index
        %get3A_162 = arith.index_cast %add3A_159 : i32 to index
        %get3A_163 = tpu.vector_load %arg9[%get3A_161, %get3A_162] {strides = array<i32>} : memref<2x8192xf32, #tpu.memory_space<vmem>>, vector<16xf32>,
        %mul3A_164 = arith.constant 64 : i32
        %mul3A_165 = arith.muli %scan3A_117, %mul3A_164 : i32
        %add3A_166 = arith.constant 32 : i32
        %add3A_167 = arith.addi %mul3A_165, %add3A_166 : i32
        %get3A_168 = arith.constant 0 : i32
        %get3A_169 = arith.index_cast %get3A_168 : i32 to index
        %get3A_170 = arith.index_cast %add3A_167 : i32 to index
        %get3A_171 = tpu.vector_load %arg10[%get3A_169, %get3A_170] {strides = array<i32>} : memref<2x8192xf32, #tpu.memory_space<vmem>>, vector<16xf32>,
        %mul3A_172 = arith.mulf %get3A_163, %get3A_171 : vector<16xf32>
        %add3A_173 = arith.addf %add3A_155, %mul3A_172 : vector<16xf32>
        %mul3A_174 = arith.constant 64 : i32
        %mul3A_175 = arith.muli %scan3A_117, %mul3A_174 : i32
        %add3A_176 = arith.constant 48 : i32
        %add3A_177 = arith.addi %mul3A_175, %add3A_176 : i32
        %get3A_178 = arith.constant 0 : i32
        %get3A_179 = arith.index_cast %get3A_178 : i32 to index
        %get3A_180 = arith.index_cast %add3A_177 : i32 to index
        %get3A_181 = tpu.vector_load %arg9[%get3A_179, %get3A_180] {strides = array<i32>} : memref<2x8192xf32, #tpu.memory_space<vmem>>, vector<16xf32>,
        %mul3A_182 = arith.constant 64 : i32
        %mul3A_183 = arith.muli %scan3A_117, %mul3A_182 : i32
        %add3A_184 = arith.constant 48 : i32
        %add3A_185 = arith.addi %mul3A_183, %add3A_184 : i32
        %get3A_186 = arith.constant 0 : i32
        %get3A_187 = arith.index_cast %get3A_186 : i32 to index
        %get3A_188 = arith.index_cast %add3A_185 : i32 to index
        %get3A_189 = tpu.vector_load %arg10[%get3A_187, %get3A_188] {strides = array<i32>} : memref<2x8192xf32, #tpu.memory_space<vmem>>, vector<16xf32>,
        %mul3A_190 = arith.mulf %get3A_181, %get3A_189 : vector<16xf32>
        %add3A_191 = arith.addf %add3A_173, %mul3A_190 : vector<16xf32>
        %mul3A_192 = arith.constant 128 : i32
        %mul3A_193 = arith.muli %scan3A_11, %mul3A_192 : i32
        %add3A_194 = arith.addi %mul3A_193, %scan3A_117 : i32
        %broadcast_in_dim3A_195 = arith.constant true
        %broadcast_in_dim3A_196 = vector.broadcast %broadcast_in_dim3A_195 : i1 to vector<16xi1>
        %masked_cumsum3A_197 = tpu.scan <sum>, %add3A_191 masked %broadcast_in_dim3A_196 : vector<16xf32>, vector<16xi1> -> vector<16xf32>
        %swap3A_198 = arith.index_cast %add3A_194 : i32 to index
        %swap3A_199 = tpu.vector_load %arg11[%swap3A_198] masked %eq3A_4 {strides = array<i32>} : memref<528xf32, #tpu.memory_space<vmem>>, vector<16xf32>, vector<16xi1>
        tpu.vector_store %arg11[%swap3A_198], %masked_cumsum3A_197 masked %eq3A_4 {strides = array<i32>} : memref<528xf32, #tpu.memory_space<vmem>>, vector<16xf32>, vector<16xi1>
        %scan3A_200 = arith.constant 0 : i32
        %scan3A_201 = arith.constant 2 : i32
        %scan3A_202 = arith.addi %scan3A_35, %scan3A_201 : i32
        %broadcast_in_dim3A_203 = arith.constant 0.000000e+00 : f32
        %broadcast_in_dim3A_204 = vector.broadcast %broadcast_in_dim3A_203 : f32 to vector<16xf32>
        %mul3A_205 = arith.constant 64 : i32
        %mul3A_206 = arith.muli %scan3A_202, %mul3A_205 : i32
        %add3A_207 = arith.constant 0 : i32
        %add3A_208 = arith.addi %mul3A_206, %add3A_207 : i32
        %get3A_209 = arith.constant 0 : i32
        %get3A_210 = arith.index_cast %get3A_209 : i32 to index
        %get3A_211 = arith.index_cast %add3A_208 : i32 to index
        %get3A_212 = tpu.vector_load %arg9[%get3A_210, %get3A_211] {strides = array<i32>} : memref<2x8192xf32, #tpu.memory_space<vmem>>, vector<16xf32>,
        %mul3A_213 = arith.constant 64 : i32
        %mul3A_214 = arith.muli %scan3A_202, %mul3A_213 : i32
        %add3A_215 = arith.constant 0 : i32
        %add3A_216 = arith.addi %mul3A_214, %add3A_215 : i32
        %get3A_217 = arith.constant 0 : i32
        %get3A_218 = arith.index_cast %get3A_217 : i32 to index
        %get3A_219 = arith.index_cast %add3A_216 : i32 to index
        %get3A_220 = tpu.vector_load %arg10[%get3A_218, %get3A_219] {strides = array<i32>} : memref<2x8192xf32, #tpu.memory_space<vmem>>, vector<16xf32>,
        %mul3A_221 = arith.mulf %get3A_212, %get3A_220 : vector<16xf32>
        %add3A_222 = arith.addf %broadcast_in_dim3A_204, %mul3A_221 : vector<16xf32>
        %mul3A_223 = arith.constant 64 : i32
        %mul3A_224 = arith.muli %scan3A_202, %mul3A_223 : i32
        %add3A_225 = arith.constant 16 : i32
        %add3A_226 = arith.addi %mul3A_224, %add3A_225 : i32
        %get3A_227 = arith.constant 0 : i32
        %get3A_228 = arith.index_cast %get3A_227 : i32 to index
        %get3A_229 = arith.index_cast %add3A_226 : i32 to index
        %get3A_230 = tpu.vector_load %arg9[%get3A_228, %get3A_229] {strides = array<i32>} : memref<2x8192xf32, #tpu.memory_space<vmem>>, vector<16xf32>,
        %mul3A_231 = arith.constant 64 : i32
        %mul3A_232 = arith.muli %scan3A_202, %mul3A_231 : i32
        %add3A_233 = arith.constant 16 : i32
        %add3A_234 = arith.addi %mul3A_232, %add3A_233 : i32
        %get3A_235 = arith.constant 0 : i32
        %get3A_236 = arith.index_cast %get3A_235 : i32 to index
        %get3A_237 = arith.index_cast %add3A_234 : i32 to index
        %get3A_238 = tpu.vector_load %arg10[%get3A_236, %get3A_237] {strides = array<i32>} : memref<2x8192xf32, #tpu.memory_space<vmem>>, vector<16xf32>,
        %mul3A_239 = arith.mulf %get3A_230, %get3A_238 : vector<16xf32>
        %add3A_240 = arith.addf %add3A_222, %mul3A_239 : vector<16xf32>
        %mul3A_241 = arith.constant 64 : i32
        %mul3A_242 = arith.muli %scan3A_202, %mul3A_241 : i32
        %add3A_243 = arith.constant 32 : i32
        %add3A_244 = arith.addi %mul3A_242, %add3A_243 : i32
        %get3A_245 = arith.constant 0 : i32
        %get3A_246 = arith.index_cast %get3A_245 : i32 to index
        %get3A_247 = arith.index_cast %add3A_244 : i32 to index
        %get3A_248 = tpu.vector_load %arg9[%get3A_246, %get3A_247] {strides = array<i32>} : memref<2x8192xf32, #tpu.memory_space<vmem>>, vector<16xf32>,
        %mul3A_249 = arith.constant 64 : i32
        %mul3A_250 = arith.muli %scan3A_202, %mul3A_249 : i32
        %add3A_251 = arith.constant 32 : i32
        %add3A_252 = arith.addi %mul3A_250, %add3A_251 : i32
        %get3A_253 = arith.constant 0 : i32
        %get3A_254 = arith.index_cast %get3A_253 : i32 to index
        %get3A_255 = arith.index_cast %add3A_252 : i32 to index
        %get3A_256 = tpu.vector_load %arg10[%get3A_254, %get3A_255] {strides = array<i32>} : memref<2x8192xf32, #tpu.memory_space<vmem>>, vector<16xf32>,
        %mul3A_257 = arith.mulf %get3A_248, %get3A_256 : vector<16xf32>
        %add3A_258 = arith.addf %add3A_240, %mul3A_257 : vector<16xf32>
        %mul3A_259 = arith.constant 64 : i32
        %mul3A_260 = arith.muli %scan3A_202, %mul3A_259 : i32
        %add3A_261 = arith.constant 48 : i32
        %add3A_262 = arith.addi %mul3A_260, %add3A_261 : i32
        %get3A_263 = arith.constant 0 : i32
        %get3A_264 = arith.index_cast %get3A_263 : i32 to index
        %get3A_265 = arith.index_cast %add3A_262 : i32 to index
        %get3A_266 = tpu.vector_load %arg9[%get3A_264, %get3A_265] {strides = array<i32>} : memref<2x8192xf32, #tpu.memory_space<vmem>>, vector<16xf32>,
        %mul3A_267 = arith.constant 64 : i32
        %mul3A_268 = arith.muli %scan3A_202, %mul3A_267 : i32
        %add3A_269 = arith.constant 48 : i32
        %add3A_270 = arith.addi %mul3A_268, %add3A_269 : i32
        %get3A_271 = arith.constant 0 : i32
        %get3A_272 = arith.index_cast %get3A_271 : i32 to index
        %get3A_273 = arith.index_cast %add3A_270 : i32 to index
        %get3A_274 = tpu.vector_load %arg10[%get3A_272, %get3A_273] {strides = array<i32>} : memref<2x8192xf32, #tpu.memory_space<vmem>>, vector<16xf32>,
        %mul3A_275 = arith.mulf %get3A_266, %get3A_274 : vector<16xf32>
        %add3A_276 = arith.addf %add3A_258, %mul3A_275 : vector<16xf32>
        %mul3A_277 = arith.constant 128 : i32
        %mul3A_278 = arith.muli %scan3A_11, %mul3A_277 : i32
        %add3A_279 = arith.addi %mul3A_278, %scan3A_202 : i32
        %broadcast_in_dim3A_280 = arith.constant true
        %broadcast_in_dim3A_281 = vector.broadcast %broadcast_in_dim3A_280 : i1 to vector<16xi1>
        %masked_cumsum3A_282 = tpu.scan <sum>, %add3A_276 masked %broadcast_in_dim3A_281 : vector<16xf32>, vector<16xi1> -> vector<16xf32>
        %swap3A_283 = arith.index_cast %add3A_279 : i32 to index
        %swap3A_284 = tpu.vector_load %arg11[%swap3A_283] masked %eq3A_4 {strides = array<i32>} : memref<528xf32, #tpu.memory_space<vmem>>, vector<16xf32>, vector<16xi1>
        tpu.vector_store %arg11[%swap3A_283], %masked_cumsum3A_282 masked %eq3A_4 {strides = array<i32>} : memref<528xf32, #tpu.memory_space<vmem>>, vector<16xf32>, vector<16xi1>
        %scan3A_285 = arith.constant 0 : i32
        %scan3A_286 = arith.constant 3 : i32
        %scan3A_287 = arith.addi %scan3A_35, %scan3A_286 : i32
        %broadcast_in_dim3A_288 = arith.constant 0.000000e+00 : f32
        %broadcast_in_dim3A_289 = vector.broadcast %broadcast_in_dim3A_288 : f32 to vector<16xf32>
        %mul3A_290 = arith.constant 64 : i32
        %mul3A_291 = arith.muli %scan3A_287, %mul3A_290 : i32
        %add3A_292 = arith.constant 0 : i32
        %add3A_293 = arith.addi %mul3A_291, %add3A_292 : i32
        %get3A_294 = arith.constant 0 : i32
        %get3A_295 = arith.index_cast %get3A_294 : i32 to index
        %get3A_296 = arith.index_cast %add3A_293 : i32 to index
        %get3A_297 = tpu.vector_load %arg9[%get3A_295, %get3A_296] {strides = array<i32>} : memref<2x8192xf32, #tpu.memory_space<vmem>>, vector<16xf32>,
        %mul3A_298 = arith.constant 64 : i32
        %mul3A_299 = arith.muli %scan3A_287, %mul3A_298 : i32
        %add3A_300 = arith.constant 0 : i32
        %add3A_301 = arith.addi %mul3A_299, %add3A_300 : i32
        %get3A_302 = arith.constant 0 : i32
        %get3A_303 = arith.index_cast %get3A_302 : i32 to index
        %get3A_304 = arith.index_cast %add3A_301 : i32 to index
        %get3A_305 = tpu.vector_load %arg10[%get3A_303, %get3A_304] {strides = array<i32>} : memref<2x8192xf32, #tpu.memory_space<vmem>>, vector<16xf32>,
        %mul3A_306 = arith.mulf %get3A_297, %get3A_305 : vector<16xf32>
        %add3A_307 = arith.addf %broadcast_in_dim3A_289, %mul3A_306 : vector<16xf32>
        %mul3A_308 = arith.constant 64 : i32
        %mul3A_309 = arith.muli %scan3A_287, %mul3A_308 : i32
        %add3A_310 = arith.constant 16 : i32
        %add3A_311 = arith.addi %mul3A_309, %add3A_310 : i32
        %get3A_312 = arith.constant 0 : i32
        %get3A_313 = arith.index_cast %get3A_312 : i32 to index
        %get3A_314 = arith.index_cast %add3A_311 : i32 to index
        %get3A_315 = tpu.vector_load %arg9[%get3A_313, %get3A_314] {strides = array<i32>} : memref<2x8192xf32, #tpu.memory_space<vmem>>, vector<16xf32>,
        %mul3A_316 = arith.constant 64 : i32
        %mul3A_317 = arith.muli %scan3A_287, %mul3A_316 : i32
        %add3A_318 = arith.constant 16 : i32
        %add3A_319 = arith.addi %mul3A_317, %add3A_318 : i32
        %get3A_320 = arith.constant 0 : i32
        %get3A_321 = arith.index_cast %get3A_320 : i32 to index
        %get3A_322 = arith.index_cast %add3A_319 : i32 to index
        %get3A_323 = tpu.vector_load %arg10[%get3A_321, %get3A_322] {strides = array<i32>} : memref<2x8192xf32, #tpu.memory_space<vmem>>, vector<16xf32>,
        %mul3A_324 = arith.mulf %get3A_315, %get3A_323 : vector<16xf32>
        %add3A_325 = arith.addf %add3A_307, %mul3A_324 : vector<16xf32>
        %mul3A_326 = arith.constant 64 : i32
        %mul3A_327 = arith.muli %scan3A_287, %mul3A_326 : i32
        %add3A_328 = arith.constant 32 : i32
        %add3A_329 = arith.addi %mul3A_327, %add3A_328 : i32
        %get3A_330 = arith.constant 0 : i32
        %get3A_331 = arith.index_cast %get3A_330 : i32 to index
        %get3A_332 = arith.index_cast %add3A_329 : i32 to index
        %get3A_333 = tpu.vector_load %arg9[%get3A_331, %get3A_332] {strides = array<i32>} : memref<2x8192xf32, #tpu.memory_space<vmem>>, vector<16xf32>,
        %mul3A_334 = arith.constant 64 : i32
        %mul3A_335 = arith.muli %scan3A_287, %mul3A_334 : i32
        %add3A_336 = arith.constant 32 : i32
        %add3A_337 = arith.addi %mul3A_335, %add3A_336 : i32
        %get3A_338 = arith.constant 0 : i32
        %get3A_339 = arith.index_cast %get3A_338 : i32 to index
        %get3A_340 = arith.index_cast %add3A_337 : i32 to index
        %get3A_341 = tpu.vector_load %arg10[%get3A_339, %get3A_340] {strides = array<i32>} : memref<2x8192xf32, #tpu.memory_space<vmem>>, vector<16xf32>,
        %mul3A_342 = arith.mulf %get3A_333, %get3A_341 : vector<16xf32>
        %add3A_343 = arith.addf %add3A_325, %mul3A_342 : vector<16xf32>
        %mul3A_344 = arith.constant 64 : i32
        %mul3A_345 = arith.muli %scan3A_287, %mul3A_344 : i32
        %add3A_346 = arith.constant 48 : i32
        %add3A_347 = arith.addi %mul3A_345, %add3A_346 : i32
        %get3A_348 = arith.constant 0 : i32
        %get3A_349 = arith.index_cast %get3A_348 : i32 to index
        %get3A_350 = arith.index_cast %add3A_347 : i32 to index
        %get3A_351 = tpu.vector_load %arg9[%get3A_349, %get3A_350] {strides = array<i32>} : memref<2x8192xf32, #tpu.memory_space<vmem>>, vector<16xf32>,
        %mul3A_352 = arith.constant 64 : i32
        %mul3A_353 = arith.muli %scan3A_287, %mul3A_352 : i32
        %add3A_354 = arith.constant 48 : i32
        %add3A_355 = arith.addi %mul3A_353, %add3A_354 : i32
        %get3A_356 = arith.constant 0 : i32
        %get3A_357 = arith.index_cast %get3A_356 : i32 to index
        %get3A_358 = arith.index_cast %add3A_355 : i32 to index
        %get3A_359 = tpu.vector_load %arg10[%get3A_357, %get3A_358] {strides = array<i32>} : memref<2x8192xf32, #tpu.memory_space<vmem>>, vector<16xf32>,
        %mul3A_360 = arith.mulf %get3A_351, %get3A_359 : vector<16xf32>
        %add3A_361 = arith.addf %add3A_343, %mul3A_360 : vector<16xf32>
        %mul3A_362 = arith.constant 128 : i32
        %mul3A_363 = arith.muli %scan3A_11, %mul3A_362 : i32
        %add3A_364 = arith.addi %mul3A_363, %scan3A_287 : i32
        %broadcast_in_dim3A_365 = arith.constant true
        %broadcast_in_dim3A_366 = vector.broadcast %broadcast_in_dim3A_365 : i1 to vector<16xi1>
        %masked_cumsum3A_367 = tpu.scan <sum>, %add3A_361 masked %broadcast_in_dim3A_366 : vector<16xf32>, vector<16xi1> -> vector<16xf32>
        %swap3A_368 = arith.index_cast %add3A_364 : i32 to index
        %swap3A_369 = tpu.vector_load %arg11[%swap3A_368] masked %eq3A_4 {strides = array<i32>} : memref<528xf32, #tpu.memory_space<vmem>>, vector<16xf32>, vector<16xi1>
        tpu.vector_store %arg11[%swap3A_368], %masked_cumsum3A_367 masked %eq3A_4 {strides = array<i32>} : memref<528xf32, #tpu.memory_space<vmem>>, vector<16xf32>, vector<16xi1>
        %scan3A_370 = arith.constant 0 : i32
        scf.yield %scan3A_370 : i32
      }
      %scan3A_33 = arith.constant 128 : i32
      %scan3A_34 = arith.constant 0 : i32
      scf.yield %scan3A_34 : i32
    }
    %scan3A_10 = arith.constant 4 : i32
    "tpu.region"() ({
      %run_scoped3A = tpu.sem_alloc : memref<!tpu.dma_semaphore, #tpu.memory_space<semaphore_mem>>
      %dma_start3A = arith.constant 0 : i32
      %dma_start3A_11 = tpu.memref_slice %arg11[%dma_start3A] : memref<528xf32, #tpu.memory_space<vmem>> -> memref<512xf32, #tpu.memory_space<vmem>>
      %dma_start3A_12 = tpu.memref_slice %arg6[%mul3A_2] : memref<16384xf32, #tpu.memory_space<hbm>> -> memref<512xf32, #tpu.memory_space<hbm>>
      %dma_start3A_13 = tpu.memref_slice %arg6[%mul3A_2] : memref<16384xf32, #tpu.memory_space<hbm>> -> memref<512xf32, #tpu.memory_space<hbm>>
      %dma_start3A_14 = arith.constant 0 : i32
      %dma_start3A_15 = tpu.memref_slice %arg11[%dma_start3A_14] : memref<528xf32, #tpu.memory_space<vmem>> -> memref<512xf32, #tpu.memory_space<vmem>>
      tpu.enqueue_dma source(%dma_start3A_15 : memref<512xf32, #tpu.memory_space<vmem>>) target(%dma_start3A_13 : memref<512xf32, #tpu.memory_space<hbm>>) target_semaphore(%run_scoped3A : memref<!tpu.dma_semaphore, #tpu.memory_space<semaphore_mem>>)
      %dma_wait3A = arith.constant 0 : i32
      %dma_wait3A_16 = tpu.memref_slice %arg11[%dma_wait3A] : memref<528xf32, #tpu.memory_space<vmem>> -> memref<512xf32, #tpu.memory_space<vmem>>
      %dma_wait3A_17 = tpu.memref_slice %arg6[%mul3A_2] : memref<16384xf32, #tpu.memory_space<hbm>> -> memref<512xf32, #tpu.memory_space<hbm>>
      %dma_wait3A_18 = tpu.memref_slice %arg6[%mul3A_2] : memref<16384xf32, #tpu.memory_space<hbm>> -> memref<512xf32, #tpu.memory_space<hbm>>
      %dma_wait3A_19 = arith.constant 0 : i32
      %dma_wait3A_20 = tpu.memref_slice %arg11[%dma_wait3A_19] : memref<528xf32, #tpu.memory_space<vmem>> -> memref<512xf32, #tpu.memory_space<vmem>>
      tpu.wait_dma2 semaphore(%run_scoped3A : memref<!tpu.dma_semaphore, #tpu.memory_space<semaphore_mem>>) src(%dma_wait3A_20 : memref<512xf32, #tpu.memory_space<vmem>>) dst(%dma_wait3A_18 : memref<512xf32, #tpu.memory_space<hbm>>)
      tpu.yield
    }) : () -> ()
    return
  }
}

</mosaic_0001>

<sc_bundles>
// kernel: kernel.3.cloned.1.call-start
scs
__scs_entry_jumppad:
0x0: {  	(pc) =	sbr.rel $0x88, $3  }
0x1: {  	(tag) =	ssettag $0x0;
	lr =	simm.s32 $0x1  }
0x2: {  	[smem:$0x3F9D] =	sst lr;
	_ =	strace $0xD0000000  }
0x3: {  	_ = 	snop  }
0x4: {  	_ = 	snop  }
0x5: {  	_ = 	snop  }
0x6: {  	_ = 	snop  }
0x7: {  	_ = 	snop  }
__scs_overlays_trampoline_lowered:
0x8: {  	[smem:$0x3FAC] =	sst s0  }
0x9: {  	[smem:$0x3FAD] =	sst s1  }
0xa: {  	[smem:$0x3FAE] =	sst s2  }
0xb: {  	[smem:$0x3FAF] =	sst s3  }
0xc: {  	[smem:$0x3FB0] =	sst s4  }
0xd: {  	[smem:$0x3FB1] =	sst s5  }
0xe: {  	[smem:$0x3FB2] =	sst s6  }
0xf: {  	[smem:$0x3FB3] =	sst s7  }
0x10: {  	[smem:$0x3FB4] =	sst s8  }
0x11: {  	[smem:$0x3FB5] =	sst s9;
	s0 =	simm.s32 @!p0 $0x0  }
0x12: {  	s1 =	sld [smem:$0x3F9B];
	s0 =	simm.s32 @p0 $0x1  }
0x13: {  	[smem:$0x3FB6] =	sst s0;
	s0 =	simm.s32 @!p1 $0x0  }
0x14: {  	s2 =	sld [smem:$0x3F9A];
	s0 =	simm.s32 @p1 $0x1  }
0x15: {  	[smem:$0x3FB7] =	sst s0;
	s0 =	simm.s32 @!p2 $0x0  }
0x16: {  	s3 =	sld [smem:$0x3FDB];
	s0 =	simm.s32 @p2 $0x1  }
0x17: {  	s4 =	simm.s32 $0x1BF5;
	[smem:$0x3FB9] =	sst s0  }
0x18: {  	s0 =	sld [smem:$0x3F9C];
	_ =	swait.ge [sflag:s4], $0x0  }
0x19: {  	s7 =	sld [smem:$0x3F9D]  }
0x1a: {  	s8 =	sadd.s32 $0xFFFFE003, lr  }
0x1b: {  	s9 =	sadd.s32 $0xFFFFFEF7, lr;
	s5 =	simm.s32 $0xFFFFFFFF;
	p2 =	slt.u32 s8, $0xFFFFF086  }
0x1c: {  	p1 =	slt.u32 s9, $0xF7A;
	s5 =	simm.s32 @!p2 $0x0  }
0x1d: {  	s5 =	simm.s32 @p1 $0x1;
	p0 =	seq.s32 s7, s2  }
0x1e: {  	s7 =	smul.u32 @!p0 $0xF7A, s2;
	p2 =	seq.s32 @!p0 s5, $0x0  }
0x1f: {  	s9 =	smul.u32 $0xF7A, s1;
	s8 =	simm.s32 @!p0 $0x1BF5;
	p2 =	por !p2, p0  }
0x20: {  	[sflag:s8] =	ssyncset.s32 @!p0 $0xFFFFF086;
	s6 =	sadd.s32 @!p0 s3, s7;
	s7 =	simm.s32 @!p0 $0x108  }
0x21: {  	s3 =	sadd.s32 s3, s9;
	s6 =	sadd.s32 @!p0 $0x88, s6;
	s7 =	simm.s32 @p2 $0x1082  }
0x22: {  	[simem:s7], [sflag:s8] =	dma.local @!p0 [hbm:s6], $0xF7A  }
0x23: {  	s9 =	sor.u32 $0xD0000000, s2;
	s6 =	simm.s32 $0x108;
	_ =	swait.ge @!p0 [sflag:s8], $0x0  }
0x24: {  	s3 =	sadd.s32 $0x88, s3;
	s6 =	simm.s32 @!p1 $0x1082;
	[sflag:s4] =	ssyncset.s32 $0xFFFFF086  }
0x25: {  	[simem:s6], [sflag:s4] =	dma.local [hbm:s3], $0xF7A  }
0x26: {  	[smem:$0x3F9D] =	sst s1;
	(tag) =	ssettag s2;
	_ =	strace s9  }
0x27: {  	s1 =	sld [smem:$0x3FAD]  }
0x28: {  	s2 =	sld [smem:$0x3FAE]  }
0x29: {  	s4 =	sld [smem:$0x3FB0]  }
0x2a: {  	p0 =	seq.s32 s5, $0x0;
	s5 =	sld [smem:$0x3FB1]  }
0x2b: {  	s6 =	sld [smem:$0x3FB2]  }
0x2c: {  	s7 =	sld [smem:$0x3FB3]  }
0x2d: {  	s3 =	simm.s32 $0x108;
	s8 =	sld [smem:$0x3FB4]  }
0x2e: {  	s3 =	simm.s32 @!p0 $0x1082;
	s9 =	sld [smem:$0x3FB5]  }
0x2f: {  	lr =	sadd.s32 s0, s3;
	s0 =	sld [smem:$0x3FAC]  }
0x30: {  	s3 =	sld [smem:$0x3FAF]  }
0x31: {  	[smem:$0x3FB8] =	sst s10  }
0x32: {  	s10 =	sld [smem:$0x3FB6];
	_ =	sdelay $0x3  }
0x33: {  	p0 =	seq.s32 s10, $0x1;
	s10 =	sld [smem:$0x3FB8];
	_ =	sdelay $0x3  }
0x34: {  	[smem:$0x3FB8] =	sst s10  }
0x35: {  	s10 =	sld [smem:$0x3FB7];
	_ =	sdelay $0x3  }
0x36: {  	p1 =	seq.s32 s10, $0x1;
	s10 =	sld [smem:$0x3FB8];
	_ =	sdelay $0x3  }
0x37: {  	[smem:$0x3FB8] =	sst s10  }
0x38: {  	s10 =	sld [smem:$0x3FB9]  }
0x39: {  	_ = 	snop;
	(pc) =	sbr.ind lr, $3  }
0x3a: {  	_ = 	snop  }
0x3b: {  	_ = 	snop  }
0x3c: {  	p2 =	seq.s32 s10, $0x1;
	s10 =	sld [smem:$0x3FB8]  }
0x3d: {  	_ =	shalt  }
0x3e: {  	_ =	shalt  }
0x3f: {  	_ =	shalt  }
0x40: {  	_ =	shalt  }
0x41: {  	_ =	shalt  }
0x42: {  	_ =	shalt  }
0x43: {  	_ =	shalt  }
0x44: {  	_ =	shalt  }
0x45: {  	_ =	shalt  }
0x46: {  	_ =	shalt  }
0x47: {  	_ =	shalt  }
0x48: {  	_ =	shalt  }
0x49: {  	_ =	shalt  }
0x4a: {  	_ =	shalt  }
0x4b: {  	_ =	shalt  }
0x4c: {  	_ =	shalt  }
0x4d: {  	_ =	shalt  }
0x4e: {  	_ =	shalt  }
0x4f: {  	_ =	shalt  }
0x50: {  	_ =	shalt  }
0x51: {  	_ =	shalt  }
0x52: {  	_ =	shalt  }
0x53: {  	_ =	shalt  }
0x54: {  	_ =	shalt  }
0x55: {  	_ =	shalt  }
0x56: {  	_ =	shalt  }
0x57: {  	_ =	shalt  }
0x58: {  	_ =	shalt  }
0x59: {  	_ =	shalt  }
0x5a: {  	_ =	shalt  }
0x5b: {  	_ =	shalt  }
0x5c: {  	_ =	shalt  }
0x5d: {  	_ =	shalt  }
0x5e: {  	_ =	shalt  }
0x5f: {  	_ =	shalt  }
0x60: {  	_ =	shalt  }
0x61: {  	_ =	shalt  }
0x62: {  	_ =	shalt  }
0x63: {  	_ =	shalt  }
0x64: {  	_ =	shalt  }
0x65: {  	_ =	shalt  }
0x66: {  	_ =	shalt  }
0x67: {  	_ =	shalt  }
0x68: {  	_ =	shalt  }
0x69: {  	_ =	shalt  }
0x6a: {  	_ =	shalt  }
0x6b: {  	_ =	shalt  }
0x6c: {  	_ =	shalt  }
0x6d: {  	_ =	shalt  }
0x6e: {  	_ =	shalt  }
0x6f: {  	_ =	shalt  }
0x70: {  	_ =	shalt  }
0x71: {  	_ =	shalt  }
0x72: {  	_ =	shalt  }
0x73: {  	_ =	shalt  }
0x74: {  	_ =	shalt  }
0x75: {  	_ =	shalt  }
0x76: {  	_ =	shalt  }
0x77: {  	_ =	shalt  }
0x78: {  	_ =	shalt  }
0x79: {  	_ =	shalt  }
0x7a: {  	_ =	shalt  }
0x7b: {  	_ =	shalt  }
0x7c: {  	_ =	shalt  }
0x7d: {  	_ =	shalt  }
0x7e: {  	_ =	shalt  }
0x7f: {  	_ =	shalt  }
0x80: {  	_ =	shalt  }
0x81: {  	_ =	shalt  }
0x82: {  	_ =	shalt  }
0x83: {  	_ =	shalt  }
0x84: {  	_ =	shalt  }
0x85: {  	_ =	shalt  }
0x86: {  	_ =	shalt  }
0x87: {  	_ =	shalt  }
.Lfunc_end0:
.L_simem_size_0:
called_computation_lowered:
.L_overlay_start_0:
0x88: {  	s2 =	sld [smem:$0x3FD9]  }
0x89: {  	s3 =	sld [smem:$0x3FFE];
	_ =	sdelay $0x1  }
0x8a: {  	s1 =	srdreg.scid  }
0x8b: {  	s0 =	sand.u32 $0x1, s1  }
0x8c: {  	s17 =	sshll.u32 s0, $0xA;
	s2 =	sadd.s32 s3, s2  }
0x8d: {  	s2 =	sadd.s32 s2, s17  }
0x8e: {  	[smem:$0x3FC4] =	sst s2  }
0x8f: {  	_ = 	snop  }
0x90: {  	s2 =	sld [smem:$0x3FC9]  }
0x91: {  	s18 =	sld [smem:$0x3FC8]  }
0x92: {  	s4 =	sld [smem:$0x3FD0];
	(tm) =	ssettm $0x1  }
0x93: {  	s5 =	sld [smem:$0x3FFB];
	_ =	sdelay $0x3  }
0x94: {  	_ =	strace s5  }
0x95: {  	s5 =	sld [smem:$0x3FFC];
	_ =	sdelay $0x3  }
0x96: {  	_ =	strace s5  }
0x97: {  	s5 =	sld [smem:$0x3FFD];
	_ =	sdelay $0x3  }
0x98: {  	_ =	strace s5  }
0x99: {  	_ =	strace $0x8FFFFFFF  }
0x9a: {  	s19 =	sld [smem:$0x3FDB];
	_ =	sdelay $0x1  }
0x9b: {  	s6 =	simm.s32 $_scs_section_size  }
0x9c: {  	s7 =	simm.s32 $_size__tile_overlayer_lowered;
	s8 =	simm.s32 $_tile_overlayer_lowered  }
0x9d: {  	s22 =	simm.s32 $0x1BFF;
	s21 =	sshll.u32 s8, $0x1;
	s5 =	sadd.s32 s6, s19  }
0x9e: {  	s9 =	simm.s32 $0x0;
	s20 =	sshll.u32 s7, $0x1;
	s7 =	sadd.s32 s21, s5  }
0x9f: {  	[timem:s9], [sflag:s22] =	dma.local [hbm:s7], s20  }
0xa0: {  	_ =	swait.ge [sflag:s22], s20  }
0xa1: {  	s6 =	ssub.s32 $0x0, s20;
	[sflag:s22] =	ssyncset.done $0x0  }
0xa2: {  	[sflag:s22] =	ssyncadd.s32 s6;
	_ =	sdelay $0x1  }
0xa3: {  	s23 =	simm.s32 $0x1B8B  }
0xa4: {  	_ =	swait.ge [sflag:s23], $0x1  }
0xa5: {  	[sflag:s23] =	ssyncset.done $0x0  }
0xa6: {  	s25 =	simm.s32 $0x1B8E;
	s24 =	sld [smem:$0x3FFE];
	[sflag:s23] =	ssyncadd.s32 $0xFFFFFFFF  }
0xa7: {  	s26 =	simm.s32 $execute0_lowered;
	[smem:$0x3FD2] =	sst s25  }
0xa8: {  	s7 =	sshll.u32 s26, $0x1;
	_ =	strace $0x80000046;
	[dreg:$0x1] =	wrdreg $0xFFFFFFFF  }
0xa9: {  	s28 =	simm.s32 $_size_execute0_lowered;
	s5 =	sadd.s32 s5, s7;
	[dreg:$0x0] =	wrdreg $0x0  }
0xaa: {  	s7 =	sshll.u32 s28, $0x1;
	[dreg:$0x2] =	wrdreg s5  }
0xab: {  	[dreg:$0x3] =	wrdreg s7  }
0xac: {  	[dreg:$0x4] =	wrdreg $0xC0  }
0xad: {  	_ =	task [dreg:s9], $0x5FFFF  }
0xae: {  	[dreg:$0x1] =	wrdreg $0xFFFFFFFF  }
0xaf: {  	[dreg:$0x0] =	wrdreg $0x60  }
0xb0: {  	[dreg:$0x2] =	wrdreg s2  }
0xb1: {  	[dreg:$0x3] =	wrdreg s18  }
0xb2: {  	[dreg:$0x4] =	wrdreg s24  }
0xb3: {  	[dreg:$0x5] =	wrdreg s4  }
0xb4: {  	[dreg:$0x6] =	wrdreg $0x9  }
0xb5: {  	_ =	task.clear_ibuf [dreg:s9], $0x7FFFF;
	_ =	strace $0x90000046  }
0xb6: {  	s29 =	simm.s32 $0x9;
	_ =	strace $0x80000048  }
0xb7: {  	_ =	swait.ge [sflag:s29], $0x1  }
0xb8: {  	[sflag:s29] =	ssyncadd.s32 $0xFFFFFFFF  }
0xb9: {  	_ =	strace $0x90000048  }
0xba: {  	_ =	sfence  }
0xbb: {  	s30 =	sld [smem:$0x0];
	_ =	sdelay $0x2  }
0xbc: {  	s31 =	sshll.u32 s1, $0xD;
	s1 =	sshrl.u32 s1, $0x2  }
0xbd: {  	s3 =	sand.u32 $0x4000, s31;
	s1 =	sadd.s32 s1, s30  }
0xbe: {  	s0 =	sor.u32 s3, s0;
	s1 =	sshll.u32 s1, $0x11  }
0xbf: {  	s0 =	sor.u32 s1, s0  }
0xc0: {  	s0 =	sadd.s32 $0x8F2B, s0  }
0xc1: {  	[sflag:s0] =	ssyncadd.remote.s32 $0x1  }
0xc2: {  	_ =	sfence.sel $0xFFFF  }
0xc3: {  	[dreg:$0x0] =	wrdreg $0xFFFFFFFF;
	(pc) =	sbr.abs _section_cstart, $3  }
0xc4: {  	[dreg:$0x1] =	wrdreg $0xFFFFFFFF  }
0xc5: {  	_ =	task.clear_ibuf [dreg:s9], $0x2FFFF;
	_ =	strace $0x9FFFFFFF  }
0xc6: {  	(tm) =	ssettm $0x7FFFFFFF  }
0xc7: {  	_ =	shalt  }
tec
execute0_lowered:
.L_overlay_start_1:
0x0: {  	(tag) =	ssettag $0x1  }
0x1: {  	s0 =	rddreg [dreg:$0x0]  }
0x2: {  	s2 =	rddreg [dreg:$0x1]  }
0x3: {  	s4 =	rddreg [dreg:$0x2]  }
0x4: {  	s5 =	rddreg [dreg:$0x3];
	s1 =	simm.s32 $0x0  }
0x5: {  	s6 =	srdreg.scid;
	s8 =	stileid.u32;
	s10 =	simm.s32 $0x80  }
0x6: {  	s11 =	simm.s32 $0x400;
	s12 =	simm.s32 $0x1;
	s6 =	sand.u32 $0x1, s6  }
0x7: {  	s8 =	sshll.u32 s8, $0x7;
	s7 =	ssub.s32 $0x2, s6;
	s6 =	sshll.u32 s6, $0x6  }
0x8: {  	s13 =	simm.s32 $0x2;
	[smem:$0x7FF] =	sst s1;
	s6 =	sor.u32 s6, s8  }
0x9: {  	s3 =	sadd.s32 $0x400, s4;
	_ =	strace $0x80000047;
	s0 =	sadd.s32 s0, s6  }
0xa: {  	s9 =	sshrl.u32 s7, $0x1;
	s29 =	sadd.s32 s2, s6;
	[dreg:$0x5] =	wrdreg s0  }
0xb: {  	s7 =	ssub.s32 s7, s9;
	s30 =	sadd.s32 s5, s6;
	[dreg:$0x6] =	wrdreg s29  }
0xc: {  	s4 =	sadd.s32 $0xF42800, s4;
	[dreg:$0x7] =	wrdreg s30;
	s31 =	smax.u32 s7, $0x1  }
0xd: {  	vm0 =	vcmask $0x3F3C;
	s2 =	simm.s32 $0x3;
	s5 =	simm.s32 $0x0;
	[dreg:$0x8] =	wrdreg s31  }
.LBB2_1:
0xe: {  	[dreg:$0x9] =	wrdreg s5  }
0xf: {  	s0 =	rddreg [dreg:$0x5]  }
0x10: {  	[tilespmem:s1], [sflag:$0x3] =	stream.linear.gather [hbm4b:s0+s1], $0x200, $0x38;
	[tilespmem:$0x8680] =	vst v63  }
0x11: {  	_ =	swait.ge [sflag:s2], $0x200  }
0x12: {  	[sflag:s2] =	ssyncset.done $0x0  }
0x13: {  	s21 =	simm.s32 $0x200;
	s31 =	rddreg [dreg:$0x6];
	[sflag:s2] =	ssyncadd.s32 $0xFFFFFE00  }
0x14: {  	[tilespmem:s21], [sflag:$0x3] =	stream.linear.gather [hbm4b:s31+s1], $0x200, $0x38;
	[tilespmem:$0x8680] =	vst v63  }
0x15: {  	_ =	swait.ge [sflag:s2], $0x200  }
0x16: {  	s17 =	simm.s32 $0x8403;
	[sflag:s2] =	ssyncset.done $0x0  }
0x17: {  	s22 =	simm.s32 $0x0;
	s0 =	simm.s32 $0x0;
	[sflag:s2] =	ssyncadd.s32 $0xFFFFFE00  }
.LBB2_2:
0x18: {  	v0 =	vld [tilespmem:s22+$0x0];
	_ =	sdelay $0x3  }
0x19: {  	v2 =	vld [tilespmem:s21+$0x0]  }
0x1a: {  	v1 =	vshll.u32 v0, $0x4  }
0x1b: {  	(v2sf) =	vpush v1, $0x0  }
0x1c: {  	(v2sf) =	vpush v1, $0x1  }
0x1d: {  	(v2sf) =	vpush v1, $0x2  }
0x1e: {  	v63 =	vshll.u32 v2, $0x4  }
0x1f: {  	(v2sf) =	vpush v63, $0x0;
	_ =	sdelay $0x6  }
0x20: {  	(v2sf) =	vpush v63, $0x1;
	_ =	sdelay $0x3  }
0x21: {  	s24 =	spop (v2sf)  }
0x22: {  	[dreg:$0xc] =	wrdreg s0;
	s0 =	sand.u32 $0x1FFFFFF0, s24;
	s2 =	spop (v2sf)  }
0x23: {  	s5 =	simm.s32 $0x400;
	s0 =	sadd.s32 s3, s0;
	s6 =	spop (v2sf)  }
0x24: {  	[tilespmem:s5], [sflag:$0x1] =	stream.strided.gather [hbm4b:s0+s10], $0x0, s11, s10, $0x38;
	[tilespmem:$0x8680] =	vst v63  }
0x25: {  	(v2sf) =	vpush v63, $0x2;
	s7 =	spop (v2sf)  }
0x26: {  	s25 =	sand.u32 $0x1FFFFFF0, s7  }
0x27: {  	[tilespmem:s5], [sflag:$0x1] =	stream.linear.gather [hbm4b:s0+s1], $0x40, $0x38;
	[tilespmem:$0x8680] =	vst v63  }
0x28: {  	s26 =	simm.s32 $0x4400;
	s0 =	sadd.s32 s4, s25  }
0x29: {  	(v2sf) =	vpush v1, $0x3;
	[tilespmem:s26], [sflag:$0x2] =	stream.strided.gather [hbm4b:s0+s10], $0x0, s11, s10, $0x38;
	[tilespmem:$0x8680] =	vst v63  }
0x2a: {  	s2 =	sand.u32 $0x1FFFFFF0, s2  }
0x2b: {  	[tilespmem:s26], [sflag:$0x2] =	stream.linear.gather [hbm4b:s0+s1], $0x40, $0x38;
	[tilespmem:$0x8680] =	vst v63  }
0x2c: {  	s29 =	simm.s32 $0x440;
	s2 =	sadd.s32 s3, s2;
	s28 =	spop (v2sf)  }
0x2d: {  	(v2sf) =	vpush v63, $0x3;
	[tilespmem:s29], [sflag:$0x1] =	stream.strided.gather [hbm4b:s2+s10], $0x0, s11, s10, $0x38;
	[tilespmem:$0x8680] =	vst v63  }
0x2e: {  	s0 =	sand.u32 $0x1FFFFFF0, s28  }
0x2f: {  	[tilespmem:s29], [sflag:$0x1] =	stream.linear.gather [hbm4b:s2+s1], $0x40, $0x38;
	[tilespmem:$0x8680] =	vst v63  }
0x30: {  	s30 =	simm.s32 $0x4440;
	s0 =	sadd.s32 s4, s0  }
0x31: {  	(v2sf) =	vpush v1, $0x4;
	[tilespmem:s30], [sflag:$0x2] =	stream.strided.gather [hbm4b:s0+s10], $0x0, s11, s10, $0x38;
	[tilespmem:$0x8680] =	vst v63  }
0x32: {  	s31 =	sand.u32 $0x1FFFFFF0, s6  }
0x33: {  	[tilespmem:s30], [sflag:$0x2] =	stream.linear.gather [hbm4b:s0+s1], $0x40, $0x38;
	[tilespmem:$0x8680] =	vst v63  }
0x34: {  	s7 =	simm.s32 $0x500;
	s5 =	sadd.s32 s3, s31;
	s6 =	spop (v2sf)  }
0x35: {  	(v2sf) =	vpush v63, $0x4;
	[tilespmem:s7], [sflag:$0x1] =	stream.strided.gather [hbm4b:s5+s10], $0x0, s11, s10, $0x38;
	[tilespmem:$0x8680] =	vst v63  }
0x36: {  	s0 =	sand.u32 $0x1FFFFFF0, s6  }
0x37: {  	[tilespmem:s7], [sflag:$0x1] =	stream.linear.gather [hbm4b:s5+s1], $0x40, $0x38;
	[tilespmem:$0x8680] =	vst v63  }
0x38: {  	s9 =	simm.s32 $0x4500;
	s8 =	spop (v2sf);
	s0 =	sadd.s32 s4, s0  }
0x39: {  	(v2sf) =	vpush v1, $0x5;
	[tilespmem:s9], [sflag:$0x2] =	stream.strided.gather [hbm4b:s0+s10], $0x0, s11, s10, $0x38;
	[tilespmem:$0x8680] =	vst v63  }
0x3a: {  	s2 =	sand.u32 $0x1FFFFFF0, s8  }
0x3b: {  	[tilespmem:s9], [sflag:$0x2] =	stream.linear.gather [hbm4b:s0+s1], $0x40, $0x38;
	[tilespmem:$0x8680] =	vst v63  }
0x3c: {  	s15 =	simm.s32 $0x540;
	s14 =	spop (v2sf);
	s2 =	sadd.s32 s3, s2  }
0x3d: {  	(v2sf) =	vpush v63, $0x5;
	[tilespmem:s15], [sflag:$0x1] =	stream.strided.gather [hbm4b:s2+s10], $0x0, s11, s10, $0x38;
	[tilespmem:$0x8680] =	vst v63  }
0x3e: {  	s0 =	sand.u32 $0x1FFFFFF0, s14  }
0x3f: {  	[tilespmem:s15], [sflag:$0x1] =	stream.linear.gather [hbm4b:s2+s1], $0x40, $0x38;
	[tilespmem:$0x8680] =	vst v63  }
0x40: {  	s18 =	simm.s32 $0x4540;
	s16 =	spop (v2sf);
	s0 =	sadd.s32 s4, s0  }
0x41: {  	(v2sf) =	vpush v1, $0x6;
	[tilespmem:s18], [sflag:$0x2] =	stream.strided.gather [hbm4b:s0+s10], $0x0, s11, s10, $0x38;
	[tilespmem:$0x8680] =	vst v63  }
0x42: {  	s2 =	sand.u32 $0x1FFFFFF0, s16  }
0x43: {  	[tilespmem:s18], [sflag:$0x2] =	stream.linear.gather [hbm4b:s0+s1], $0x40, $0x38;
	[tilespmem:$0x8680] =	vst v63  }
0x44: {  	s20 =	simm.s32 $0x600;
	s19 =	spop (v2sf);
	s2 =	sadd.s32 s3, s2  }
0x45: {  	(v2sf) =	vpush v63, $0x6;
	[tilespmem:s20], [sflag:$0x1] =	stream.strided.gather [hbm4b:s2+s10], $0x0, s11, s10, $0x38;
	[tilespmem:$0x8680] =	vst v63  }
0x46: {  	s0 =	sand.u32 $0x1FFFFFF0, s19  }
0x47: {  	[tilespmem:s20], [sflag:$0x1] =	stream.linear.gather [hbm4b:s2+s1], $0x40, $0x38;
	[tilespmem:$0x8680] =	vst v63  }
0x48: {  	s24 =	simm.s32 $0x4600;
	s23 =	spop (v2sf);
	s0 =	sadd.s32 s4, s0  }
0x49: {  	(v2sf) =	vpush v1, $0x7;
	[tilespmem:s24], [sflag:$0x2] =	stream.strided.gather [hbm4b:s0+s10], $0x0, s11, s10, $0x38;
	[tilespmem:$0x8680] =	vst v63  }
0x4a: {  	s2 =	sand.u32 $0x1FFFFFF0, s23  }
0x4b: {  	[tilespmem:s24], [sflag:$0x2] =	stream.linear.gather [hbm4b:s0+s1], $0x40, $0x38;
	[tilespmem:$0x8680] =	vst v63  }
0x4c: {  	s26 =	simm.s32 $0x640;
	s25 =	spop (v2sf);
	s2 =	sadd.s32 s3, s2  }
0x4d: {  	(v2sf) =	vpush v63, $0x7;
	[tilespmem:s26], [sflag:$0x1] =	stream.strided.gather [hbm4b:s2+s10], $0x0, s11, s10, $0x38;
	[tilespmem:$0x8680] =	vst v63  }
0x4e: {  	s0 =	sand.u32 $0x1FFFFFF0, s25  }
0x4f: {  	[tilespmem:s26], [sflag:$0x1] =	stream.linear.gather [hbm4b:s2+s1], $0x40, $0x38;
	[tilespmem:$0x8680] =	vst v63  }
0x50: {  	s29 =	simm.s32 $0x4640;
	s28 =	spop (v2sf);
	s0 =	sadd.s32 s4, s0  }
0x51: {  	(v2sf) =	vpush v1, $0x8;
	[tilespmem:s29], [sflag:$0x2] =	stream.strided.gather [hbm4b:s0+s10], $0x0, s11, s10, $0x38;
	[tilespmem:$0x8680] =	vst v63  }
0x52: {  	s2 =	sand.u32 $0x1FFFFFF0, s28  }
0x53: {  	[tilespmem:s29], [sflag:$0x2] =	stream.linear.gather [hbm4b:s0+s1], $0x40, $0x38;
	[tilespmem:$0x8680] =	vst v63  }
0x54: {  	s31 =	simm.s32 $0x700;
	s30 =	spop (v2sf);
	s2 =	sadd.s32 s3, s2  }
0x55: {  	(v2sf) =	vpush v63, $0x8;
	[tilespmem:s31], [sflag:$0x1] =	stream.strided.gather [hbm4b:s2+s10], $0x0, s11, s10, $0x38;
	[tilespmem:$0x8680] =	vst v63  }
0x56: {  	s0 =	sand.u32 $0x1FFFFFF0, s30  }
0x57: {  	[tilespmem:s31], [sflag:$0x1] =	stream.linear.gather [hbm4b:s2+s1], $0x40, $0x38;
	[tilespmem:$0x8680] =	vst v63  }
0x58: {  	s7 =	simm.s32 $0x4700;
	s6 =	spop (v2sf);
	s0 =	sadd.s32 s4, s0  }
0x59: {  	(v2sf) =	vpush v1, $0x9;
	[tilespmem:s7], [sflag:$0x2] =	stream.strided.gather [hbm4b:s0+s10], $0x0, s11, s10, $0x38;
	[tilespmem:$0x8680] =	vst v63  }
0x5a: {  	s2 =	sand.u32 $0x1FFFFFF0, s6  }
0x5b: {  	[tilespmem:s7], [sflag:$0x2] =	stream.linear.gather [hbm4b:s0+s1], $0x40, $0x38;
	[tilespmem:$0x8680] =	vst v63  }
0x5c: {  	s9 =	simm.s32 $0x740;
	s8 =	spop (v2sf);
	s2 =	sadd.s32 s3, s2  }
0x5d: {  	(v2sf) =	vpush v63, $0x9;
	[tilespmem:s9], [sflag:$0x1] =	stream.strided.gather [hbm4b:s2+s10], $0x0, s11, s10, $0x38;
	[tilespmem:$0x8680] =	vst v63  }
0x5e: {  	s0 =	sand.u32 $0x1FFFFFF0, s8  }
0x5f: {  	[tilespmem:s9], [sflag:$0x1] =	stream.linear.gather [hbm4b:s2+s1], $0x40, $0x38;
	[tilespmem:$0x8680] =	vst v63  }
0x60: {  	s15 =	simm.s32 $0x4740;
	s14 =	spop (v2sf);
	s0 =	sadd.s32 s4, s0  }
0x61: {  	(v2sf) =	vpush v1, $0xA;
	[tilespmem:s15], [sflag:$0x2] =	stream.strided.gather [hbm4b:s0+s10], $0x0, s11, s10, $0x38;
	[tilespmem:$0x8680] =	vst v63  }
0x62: {  	s2 =	sand.u32 $0x1FFFFFF0, s14  }
0x63: {  	[tilespmem:s15], [sflag:$0x2] =	stream.linear.gather [hbm4b:s0+s1], $0x40, $0x38;
	[tilespmem:$0x8680] =	vst v63  }
0x64: {  	s18 =	simm.s32 $0x800;
	s16 =	spop (v2sf);
	s2 =	sadd.s32 s3, s2  }
0x65: {  	(v2sf) =	vpush v63, $0xA;
	[tilespmem:s18], [sflag:$0x1] =	stream.strided.gather [hbm4b:s2+s10], $0x0, s11, s10, $0x38;
	[tilespmem:$0x8680] =	vst v63  }
0x66: {  	s0 =	sand.u32 $0x1FFFFFF0, s16  }
0x67: {  	[tilespmem:s18], [sflag:$0x1] =	stream.linear.gather [hbm4b:s2+s1], $0x40, $0x38;
	[tilespmem:$0x8680] =	vst v63  }
0x68: {  	s20 =	simm.s32 $0x4800;
	s19 =	spop (v2sf);
	s0 =	sadd.s32 s4, s0  }
0x69: {  	(v2sf) =	vpush v1, $0xB;
	[tilespmem:s20], [sflag:$0x2] =	stream.strided.gather [hbm4b:s0+s10], $0x0, s11, s10, $0x38;
	[tilespmem:$0x8680] =	vst v63  }
0x6a: {  	s2 =	sand.u32 $0x1FFFFFF0, s19  }
0x6b: {  	[tilespmem:s20], [sflag:$0x2] =	stream.linear.gather [hbm4b:s0+s1], $0x40, $0x38;
	[tilespmem:$0x8680] =	vst v63  }
0x6c: {  	s24 =	simm.s32 $0x840;
	s23 =	spop (v2sf);
	s2 =	sadd.s32 s3, s2  }
0x6d: {  	(v2sf) =	vpush v63, $0xB;
	[tilespmem:s24], [sflag:$0x1] =	stream.strided.gather [hbm4b:s2+s10], $0x0, s11, s10, $0x38;
	[tilespmem:$0x8680] =	vst v63  }
0x6e: {  	s0 =	sand.u32 $0x1FFFFFF0, s23  }
0x6f: {  	[tilespmem:s24], [sflag:$0x1] =	stream.linear.gather [hbm4b:s2+s1], $0x40, $0x38;
	[tilespmem:$0x8680] =	vst v63  }
0x70: {  	s26 =	simm.s32 $0x4840;
	s25 =	spop (v2sf);
	s0 =	sadd.s32 s4, s0  }
0x71: {  	(v2sf) =	vpush v1, $0xC;
	[tilespmem:s26], [sflag:$0x2] =	stream.strided.gather [hbm4b:s0+s10], $0x0, s11, s10, $0x38;
	[tilespmem:$0x8680] =	vst v63  }
0x72: {  	s2 =	sand.u32 $0x1FFFFFF0, s25  }
0x73: {  	[tilespmem:s26], [sflag:$0x2] =	stream.linear.gather [hbm4b:s0+s1], $0x40, $0x38;
	[tilespmem:$0x8680] =	vst v63  }
0x74: {  	s29 =	simm.s32 $0x900;
	s28 =	spop (v2sf);
	s2 =	sadd.s32 s3, s2  }
0x75: {  	(v2sf) =	vpush v63, $0xC;
	[tilespmem:s29], [sflag:$0x1] =	stream.strided.gather [hbm4b:s2+s10], $0x0, s11, s10, $0x38;
	[tilespmem:$0x8680] =	vst v63  }
0x76: {  	s0 =	sand.u32 $0x1FFFFFF0, s28  }
0x77: {  	[tilespmem:s29], [sflag:$0x1] =	stream.linear.gather [hbm4b:s2+s1], $0x40, $0x38;
	[tilespmem:$0x8680] =	vst v63  }
0x78: {  	s31 =	simm.s32 $0x4900;
	s30 =	spop (v2sf);
	s0 =	sadd.s32 s4, s0  }
0x79: {  	(v2sf) =	vpush v1, $0xD;
	[tilespmem:s31], [sflag:$0x2] =	stream.strided.gather [hbm4b:s0+s10], $0x0, s11, s10, $0x38;
	[tilespmem:$0x8680] =	vst v63  }
0x7a: {  	s2 =	sand.u32 $0x1FFFFFF0, s30  }
0x7b: {  	[tilespmem:s31], [sflag:$0x2] =	stream.linear.gather [hbm4b:s0+s1], $0x40, $0x38;
	[tilespmem:$0x8680] =	vst v63  }
0x7c: {  	s6 =	simm.s32 $0x940;
	s5 =	spop (v2sf);
	s2 =	sadd.s32 s3, s2  }
0x7d: {  	(v2sf) =	vpush v63, $0xD;
	[tilespmem:s6], [sflag:$0x1] =	stream.strided.gather [hbm4b:s2+s10], $0x0, s11, s10, $0x38;
	[tilespmem:$0x8680] =	vst v63  }
0x7e: {  	s0 =	sand.u32 $0x1FFFFFF0, s5  }
0x7f: {  	[tilespmem:s6], [sflag:$0x1] =	stream.linear.gather [hbm4b:s2+s1], $0x40, $0x38;
	[tilespmem:$0x8680] =	vst v63  }
0x80: {  	s8 =	simm.s32 $0x4940;
	s7 =	spop (v2sf);
	s0 =	sadd.s32 s4, s0  }
0x81: {  	(v2sf) =	vpush v1, $0xE;
	[tilespmem:s8], [sflag:$0x2] =	stream.strided.gather [hbm4b:s0+s10], $0x0, s11, s10, $0x38;
	[tilespmem:$0x8680] =	vst v63  }
0x82: {  	s2 =	sand.u32 $0x1FFFFFF0, s7  }
0x83: {  	[tilespmem:s8], [sflag:$0x2] =	stream.linear.gather [hbm4b:s0+s1], $0x40, $0x38;
	[tilespmem:$0x8680] =	vst v63  }
0x84: {  	s14 =	simm.s32 $0xA00;
	s9 =	spop (v2sf);
	s2 =	sadd.s32 s3, s2  }
0x85: {  	(v2sf) =	vpush v63, $0xE;
	[tilespmem:s14], [sflag:$0x1] =	stream.strided.gather [hbm4b:s2+s10], $0x0, s11, s10, $0x38;
	[tilespmem:$0x8680] =	vst v63  }
0x86: {  	s0 =	sand.u32 $0x1FFFFFF0, s9  }
0x87: {  	[tilespmem:s14], [sflag:$0x1] =	stream.linear.gather [hbm4b:s2+s1], $0x40, $0x38;
	[tilespmem:$0x8680] =	vst v63  }
0x88: {  	s16 =	simm.s32 $0x4A00;
	s15 =	spop (v2sf);
	s0 =	sadd.s32 s4, s0  }
0x89: {  	(v2sf) =	vpush v1, $0xF;
	[tilespmem:s16], [sflag:$0x2] =	stream.strided.gather [hbm4b:s0+s10], $0x0, s11, s10, $0x38;
	[tilespmem:$0x8680] =	vst v63  }
0x8a: {  	s2 =	sand.u32 $0x1FFFFFF0, s15  }
0x8b: {  	[tilespmem:s16], [sflag:$0x2] =	stream.linear.gather [hbm4b:s0+s1], $0x40, $0x38;
	[tilespmem:$0x8680] =	vst v63  }
0x8c: {  	s19 =	simm.s32 $0xA40;
	s18 =	spop (v2sf);
	s2 =	sadd.s32 s3, s2  }
0x8d: {  	(v2sf) =	vpush v63, $0xF;
	[tilespmem:s19], [sflag:$0x1] =	stream.strided.gather [hbm4b:s2+s10], $0x0, s11, s10, $0x38;
	[tilespmem:$0x8680] =	vst v63  }
0x8e: {  	s0 =	sand.u32 $0x1FFFFFF0, s18  }
0x8f: {  	[tilespmem:s19], [sflag:$0x1] =	stream.linear.gather [hbm4b:s2+s1], $0x40, $0x38;
	[tilespmem:$0x8680] =	vst v63  }
0x90: {  	s23 =	simm.s32 $0x4A40;
	s20 =	spop (v2sf);
	s0 =	sadd.s32 s4, s0  }
0x91: {  	[tilespmem:s23], [sflag:$0x2] =	stream.strided.gather [hbm4b:s0+s10], $0x0, s11, s10, $0x38;
	[tilespmem:$0x8680] =	vst v63  }
0x92: {  	s2 =	sand.u32 $0x1FFFFFF0, s20  }
0x93: {  	[tilespmem:s23], [sflag:$0x2] =	stream.linear.gather [hbm4b:s0+s1], $0x40, $0x38;
	[tilespmem:$0x8680] =	vst v63  }
0x94: {  	s25 =	simm.s32 $0xB00;
	s24 =	spop (v2sf);
	s2 =	sadd.s32 s3, s2  }
0x95: {  	[tilespmem:s25], [sflag:$0x1] =	stream.strided.gather [hbm4b:s2+s10], $0x0, s11, s10, $0x38;
	[tilespmem:$0x8680] =	vst v63  }
0x96: {  	s0 =	sand.u32 $0x1FFFFFF0, s24  }
0x97: {  	[tilespmem:s25], [sflag:$0x1] =	stream.linear.gather [hbm4b:s2+s1], $0x40, $0x38;
	[tilespmem:$0x8680] =	vst v63  }
0x98: {  	s28 =	simm.s32 $0x4B00;
	s26 =	spop (v2sf);
	s0 =	sadd.s32 s4, s0  }
0x99: {  	[tilespmem:s28], [sflag:$0x2] =	stream.strided.gather [hbm4b:s0+s10], $0x0, s11, s10, $0x38;
	[tilespmem:$0x8680] =	vst v63  }
0x9a: {  	[dreg:$0xa] =	wrdreg s21;
	s2 =	sand.u32 $0x1FFFFFF0, s26  }
0x9b: {  	[tilespmem:s28], [sflag:$0x2] =	stream.linear.gather [hbm4b:s0+s1], $0x40, $0x38;
	[tilespmem:$0x8680] =	vst v63  }
0x9c: {  	s30 =	simm.s32 $0xB40;
	s29 =	spop (v2sf);
	s2 =	sadd.s32 s3, s2  }
0x9d: {  	[tilespmem:s30], [sflag:$0x1] =	stream.strided.gather [hbm4b:s2+s10], $0x0, s11, s10, $0x38;
	[tilespmem:$0x8680] =	vst v63  }
0x9e: {  	[dreg:$0xb] =	wrdreg s22;
	s31 =	sand.u32 $0x1FFFFFF0, s29  }
0x9f: {  	[tilespmem:s30], [sflag:$0x1] =	stream.linear.gather [hbm4b:s2+s1], $0x40, $0x38;
	[tilespmem:$0x8680] =	vst v63  }
0xa0: {  	s20 =	simm.s32 $0x2000;
	s0 =	simm.s32 $0x4B40;
	s2 =	sadd.s32 s4, s31  }
0xa1: {  	[tilespmem:s0], [sflag:$0x2] =	stream.strided.gather [hbm4b:s2+s10], $0x0, s11, s10, $0x38;
	[tilespmem:$0x8680] =	vst v63  }
.LBB2_3:
0xa2: {  	p0 =	sne.s32 s20, $0xE000;
	s21 =	sadd.s32 $0x10, s21;
	s22 =	sadd.s32 $0x10, s22  }
0xa3: {  	[tilespmem:s0], [sflag:$0x2] =	stream.linear.gather [hbm4b:s2+s1], $0x40, $0x38;
	[tilespmem:$0x8680] =	vst v63  }
0xa4: {  	s0 =	smov.u32 s20;
	s20 =	sadd.s32 $0x2000, s20;
	v0 =	vld [tilespmem:s22+$0x0];
	_ =	sdelay $0x3  }
0xa5: {  	v1 =	vld [tilespmem:s21+$0x0]  }
0xa6: {  	v0 =	vshll.u32 v0, $0x4  }
0xa7: {  	(v2sf) =	vpush v0, $0x0  }
0xa8: {  	(v2sf) =	vpush v0, $0x1  }
0xa9: {  	(v2sf) =	vpush v0, $0x2  }
0xaa: {  	v1 =	vshll.u32 v1, $0x4  }
0xab: {  	(v2sf) =	vpush v1, $0x0;
	_ =	sdelay $0x1  }
0xac: {  	(v2sf) =	vpush v1, $0x1  }
0xad: {  	(v2sf) =	vpush v1, $0x2;
	_ =	sdelay $0x3  }
0xae: {  	(v2sf) =	vpush v0, $0x3;
	_ =	sdelay $0x3  }
0xaf: {  	s2 =	spop (v2sf);
	(v2sf) =	vpush v1, $0x3  }
0xb0: {  	s23 =	sshra.s32 s0, $0x2;
	s0 =	sand.u32 $0x1FFFFFF0, s2;
	s2 =	spop (v2sf)  }
0xb1: {  	s5 =	sadd.s32 $0x400, s23;
	s0 =	sadd.s32 s3, s0;
	s6 =	spop (v2sf)  }
0xb2: {  	[tilespmem:s5], [sflag:$0x1] =	stream.strided.gather [hbm4b:s0+s10], $0x0, s11, s10, $0x38;
	[tilespmem:$0x8680] =	vst v63  }
0xb3: {  	s2 =	sand.u32 $0x1FFFFFF0, s2;
	s6 =	sand.u32 $0x1FFFFFF0, s6;
	s7 =	spop (v2sf);
	(v2sf) =	vpush v0, $0x4  }
0xb4: {  	[tilespmem:s5], [sflag:$0x1] =	stream.linear.gather [hbm4b:s0+s1], $0x40, $0x38;
	[tilespmem:$0x8680] =	vst v63  }
0xb5: {  	s0 =	sadd.s32 $0x4400, s23;
	s5 =	sand.u32 $0x1FFFFFF0, s7;
	s7 =	spop (v2sf);
	(v2sf) =	vpush v1, $0x4  }
0xb6: {  	s5 =	sadd.s32 s4, s5;
	s7 =	sand.u32 $0x1FFFFFF0, s7;
	s8 =	spop (v2sf)  }
0xb7: {  	[tilespmem:s0], [sflag:$0x2] =	stream.strided.gather [hbm4b:s5+s10], $0x0, s11, s10, $0x38;
	(v2sf) =	vpush v0, $0x5;
	[tilespmem:$0x8680] =	vst v63  }
0xb8: {  	s9 =	sadd.s32 $0x440, s23;
	s2 =	sadd.s32 s3, s2;
	s8 =	sand.u32 $0x1FFFFFF0, s8  }
0xb9: {  	[tilespmem:s0], [sflag:$0x2] =	stream.linear.gather [hbm4b:s5+s1], $0x40, $0x38;
	(v2sf) =	vpush v1, $0x5;
	[tilespmem:$0x8680] =	vst v63  }
0xba: {  	s0 =	spop (v2sf)  }
0xbb: {  	[tilespmem:s9], [sflag:$0x1] =	stream.strided.gather [hbm4b:s2+s10], $0x0, s11, s10, $0x38;
	(v2sf) =	vpush v0, $0x6;
	[tilespmem:$0x8680] =	vst v63  }
0xbc: {  	s7 =	sadd.s32 s4, s7;
	s5 =	sadd.s32 $0x4440, s23;
	s0 =	sand.u32 $0x1FFFFFF0, s0  }
0xbd: {  	[tilespmem:s9], [sflag:$0x1] =	stream.linear.gather [hbm4b:s2+s1], $0x40, $0x38;
	(v2sf) =	vpush v1, $0x6;
	[tilespmem:$0x8680] =	vst v63  }
0xbe: {  	s2 =	spop (v2sf)  }
0xbf: {  	[tilespmem:s5], [sflag:$0x2] =	stream.strided.gather [hbm4b:s7+s10], $0x0, s11, s10, $0x38;
	(v2sf) =	vpush v0, $0x7;
	[tilespmem:$0x8680] =	vst v63  }
0xc0: {  	s6 =	sadd.s32 s3, s6;
	s9 =	sadd.s32 $0x500, s23;
	s14 =	sand.u32 $0x1FFFFFF0, s2  }
0xc1: {  	[tilespmem:s5], [sflag:$0x2] =	stream.linear.gather [hbm4b:s7+s1], $0x40, $0x38;
	(v2sf) =	vpush v1, $0x7;
	[tilespmem:$0x8680] =	vst v63  }
0xc2: {  	s2 =	spop (v2sf)  }
0xc3: {  	[tilespmem:s9], [sflag:$0x1] =	stream.strided.gather [hbm4b:s6+s10], $0x0, s11, s10, $0x38;
	(v2sf) =	vpush v0, $0x8;
	[tilespmem:$0x8680] =	vst v63  }
0xc4: {  	s5 =	sadd.s32 $0x4500, s23;
	s7 =	sadd.s32 s4, s8;
	s8 =	spop (v2sf)  }
0xc5: {  	[tilespmem:s9], [sflag:$0x1] =	stream.linear.gather [hbm4b:s6+s1], $0x40, $0x38;
	(v2sf) =	vpush v1, $0x8;
	[tilespmem:$0x8680] =	vst v63  }
0xc6: {  	s6 =	sand.u32 $0x1FFFFFF0, s2;
	s8 =	sand.u32 $0x1FFFFFF0, s8;
	s2 =	spop (v2sf)  }
0xc7: {  	[tilespmem:s5], [sflag:$0x2] =	stream.strided.gather [hbm4b:s7+s10], $0x0, s11, s10, $0x38;
	(v2sf) =	vpush v0, $0x9;
	[tilespmem:$0x8680] =	vst v63  }
0xc8: {  	s0 =	sadd.s32 s3, s0;
	s9 =	sadd.s32 $0x540, s23;
	s24 =	spop (v2sf)  }
0xc9: {  	[tilespmem:s5], [sflag:$0x2] =	stream.linear.gather [hbm4b:s7+s1], $0x40, $0x38;
	(v2sf) =	vpush v1, $0x9;
	[tilespmem:$0x8680] =	vst v63  }
0xca: {  	s5 =	sand.u32 $0x1FFFFFF0, s2;
	s2 =	sand.u32 $0x1FFFFFF0, s24;
	s7 =	spop (v2sf)  }
0xcb: {  	[tilespmem:s9], [sflag:$0x1] =	stream.strided.gather [hbm4b:s0+s10], $0x0, s11, s10, $0x38;
	(v2sf) =	vpush v0, $0xA;
	[tilespmem:$0x8680] =	vst v63  }
0xcc: {  	s14 =	sadd.s32 s4, s14;
	s24 =	sadd.s32 $0x4540, s23;
	s25 =	spop (v2sf)  }
0xcd: {  	[tilespmem:s9], [sflag:$0x1] =	stream.linear.gather [hbm4b:s0+s1], $0x40, $0x38;
	(v2sf) =	vpush v1, $0xA;
	[tilespmem:$0x8680] =	vst v63  }
0xce: {  	s7 =	sand.u32 $0x1FFFFFF0, s7;
	s0 =	sand.u32 $0x1FFFFFF0, s25;
	s9 =	spop (v2sf)  }
0xcf: {  	[tilespmem:s24], [sflag:$0x2] =	stream.strided.gather [hbm4b:s14+s10], $0x0, s11, s10, $0x38;
	(v2sf) =	vpush v0, $0xB;
	[tilespmem:$0x8680] =	vst v63  }
0xd0: {  	s6 =	sadd.s32 s3, s6;
	s25 =	sadd.s32 $0x600, s23;
	s28 =	spop (v2sf)  }
0xd1: {  	[tilespmem:s24], [sflag:$0x2] =	stream.linear.gather [hbm4b:s14+s1], $0x40, $0x38;
	(v2sf) =	vpush v1, $0xB;
	[tilespmem:$0x8680] =	vst v63  }
0xd2: {  	s26 =	sand.u32 $0x1FFFFFF0, s9;
	s24 =	sand.u32 $0x1FFFFFF0, s28;
	s9 =	spop (v2sf)  }
0xd3: {  	[tilespmem:s25], [sflag:$0x1] =	stream.strided.gather [hbm4b:s6+s10], $0x0, s11, s10, $0x38;
	(v2sf) =	vpush v0, $0xC;
	[tilespmem:$0x8680] =	vst v63  }
0xd4: {  	s8 =	sadd.s32 s4, s8;
	s14 =	sadd.s32 $0x4600, s23;
	s28 =	spop (v2sf)  }
0xd5: {  	[tilespmem:s25], [sflag:$0x1] =	stream.linear.gather [hbm4b:s6+s1], $0x40, $0x38;
	(v2sf) =	vpush v1, $0xC;
	[tilespmem:$0x8680] =	vst v63  }
0xd6: {  	s25 =	sand.u32 $0x1FFFFFF0, s9;
	s6 =	sand.u32 $0x1FFFFFF0, s28;
	s9 =	spop (v2sf)  }
0xd7: {  	[tilespmem:s14], [sflag:$0x2] =	stream.strided.gather [hbm4b:s8+s10], $0x0, s11, s10, $0x38;
	(v2sf) =	vpush v0, $0xD;
	[tilespmem:$0x8680] =	vst v63  }
0xd8: {  	s29 =	sadd.s32 s3, s5;
	s28 =	sadd.s32 $0x640, s23;
	s5 =	spop (v2sf)  }
0xd9: {  	[tilespmem:s14], [sflag:$0x2] =	stream.linear.gather [hbm4b:s8+s1], $0x40, $0x38;
	(v2sf) =	vpush v1, $0xD;
	[tilespmem:$0x8680] =	vst v63  }
0xda: {  	s9 =	sand.u32 $0x1FFFFFF0, s9;
	s5 =	sand.u32 $0x1FFFFFF0, s5;
	s8 =	spop (v2sf)  }
0xdb: {  	[tilespmem:s28], [sflag:$0x1] =	stream.strided.gather [hbm4b:s29+s10], $0x0, s11, s10, $0x38;
	(v2sf) =	vpush v0, $0xE;
	[tilespmem:$0x8680] =	vst v63  }
0xdc: {  	s30 =	sadd.s32 s4, s2;
	s14 =	sadd.s32 $0x4640, s23;
	s2 =	spop (v2sf)  }
0xdd: {  	[tilespmem:s28], [sflag:$0x1] =	stream.linear.gather [hbm4b:s29+s1], $0x40, $0x38;
	[tilespmem:$0x8680] =	vst v63  }
0xde: {  	s8 =	sand.u32 $0x1FFFFFF0, s8;
	s2 =	sand.u32 $0x1FFFFFF0, s2;
	s28 =	spop (v2sf)  }
0xdf: {  	[tilespmem:s14], [sflag:$0x2] =	stream.strided.gather [hbm4b:s30+s10], $0x0, s11, s10, $0x38;
	(v2sf) =	vpush v1, $0xE;
	[tilespmem:$0x8680] =	vst v63  }
0xe0: {  	s15 =	sadd.s32 s3, s7;
	s29 =	sadd.s32 $0x700, s23;
	s31 =	spop (v2sf)  }
0xe1: {  	[tilespmem:s14], [sflag:$0x2] =	stream.linear.gather [hbm4b:s30+s1], $0x40, $0x38;
	(v2sf) =	vpush v0, $0xF;
	[tilespmem:$0x8680] =	vst v63  }
0xe2: {  	s7 =	sand.u32 $0x1FFFFFF0, s28;
	s31 =	sand.u32 $0x1FFFFFF0, s31;
	s14 =	spop (v2sf)  }
0xe3: {  	[tilespmem:s29], [sflag:$0x1] =	stream.strided.gather [hbm4b:s15+s10], $0x0, s11, s10, $0x38;
	(v2sf) =	vpush v1, $0xF;
	[tilespmem:$0x8680] =	vst v63  }
0xe4: {  	s0 =	sadd.s32 s4, s0;
	s28 =	sadd.s32 $0x4700, s23;
	s30 =	spop (v2sf)  }
0xe5: {  	[tilespmem:s29], [sflag:$0x1] =	stream.linear.gather [hbm4b:s15+s1], $0x40, $0x38;
	[tilespmem:$0x8680] =	vst v63  }
0xe6: {  	s14 =	sand.u32 $0x1FFFFFF0, s14;
	s30 =	sand.u32 $0x1FFFFFF0, s30;
	s15 =	spop (v2sf)  }
0xe7: {  	[tilespmem:s28], [sflag:$0x2] =	stream.strided.gather [hbm4b:s0+s10], $0x0, s11, s10, $0x38;
	[tilespmem:$0x8680] =	vst v63  }
0xe8: {  	s19 =	sadd.s32 $0x740, s23;
	s16 =	sadd.s32 s3, s26;
	s26 =	spop (v2sf)  }
0xe9: {  	[tilespmem:s28], [sflag:$0x2] =	stream.linear.gather [hbm4b:s0+s1], $0x40, $0x38;
	[tilespmem:$0x8680] =	vst v63  }
0xea: {  	s0 =	sand.u32 $0x1FFFFFF0, s15;
	s29 =	sand.u32 $0x1FFFFFF0, s26;
	s15 =	spop (v2sf)  }
0xeb: {  	[tilespmem:s19], [sflag:$0x1] =	stream.strided.gather [hbm4b:s16+s10], $0x0, s11, s10, $0x38;
	[tilespmem:$0x8680] =	vst v63  }
0xec: {  	s18 =	sadd.s32 $0x4740, s23;
	s24 =	sadd.s32 s4, s24;
	s26 =	sand.u32 $0x1FFFFFF0, s15  }
0xed: {  	[tilespmem:s19], [sflag:$0x1] =	stream.linear.gather [hbm4b:s16+s1], $0x40, $0x38;
	[tilespmem:$0x8680] =	vst v63  }
0xee: {  	s28 =	spop (v2sf)  }
0xef: {  	[tilespmem:s18], [sflag:$0x2] =	stream.strided.gather [hbm4b:s24+s10], $0x0, s11, s10, $0x38;
	[tilespmem:$0x8680] =	vst v63  }
0xf0: {  	s15 =	sadd.s32 $0x800, s23;
	s16 =	sadd.s32 s3, s25;
	s19 =	spop (v2sf)  }
0xf1: {  	[tilespmem:s18], [sflag:$0x2] =	stream.linear.gather [hbm4b:s24+s1], $0x40, $0x38;
	[tilespmem:$0x8680] =	vst v63  }
0xf2: {  	s25 =	sand.u32 $0x1FFFFFF0, s19;
	s24 =	spop (v2sf)  }
0xf3: {  	[tilespmem:s15], [sflag:$0x1] =	stream.strided.gather [hbm4b:s16+s10], $0x0, s11, s10, $0x38;
	[tilespmem:$0x8680] =	vst v63  }
0xf4: {  	s6 =	sadd.s32 s4, s6;
	s18 =	sadd.s32 $0x4800, s23  }
0xf5: {  	[tilespmem:s15], [sflag:$0x1] =	stream.linear.gather [hbm4b:s16+s1], $0x40, $0x38;
	[tilespmem:$0x8680] =	vst v63  }
0xf6: {  	_ = 	snop  }
0xf7: {  	[tilespmem:s18], [sflag:$0x2] =	stream.strided.gather [hbm4b:s6+s10], $0x0, s11, s10, $0x38;
	[tilespmem:$0x8680] =	vst v63  }
0xf8: {  	s9 =	sadd.s32 s3, s9;
	s15 =	sadd.s32 $0x840, s23  }
0xf9: {  	[tilespmem:s18], [sflag:$0x2] =	stream.linear.gather [hbm4b:s6+s1], $0x40, $0x38;
	[tilespmem:$0x8680] =	vst v63  }
0xfa: {  	_ = 	snop  }
0xfb: {  	[tilespmem:s15], [sflag:$0x1] =	stream.strided.gather [hbm4b:s9+s10], $0x0, s11, s10, $0x38;
	[tilespmem:$0x8680] =	vst v63  }
0xfc: {  	s5 =	sadd.s32 s4, s5;
	s6 =	sadd.s32 $0x4840, s23  }
0xfd: {  	[tilespmem:s15], [sflag:$0x1] =	stream.linear.gather [hbm4b:s9+s1], $0x40, $0x38;
	[tilespmem:$0x8680] =	vst v63  }
0xfe: {  	_ = 	snop  }
0xff: {  	[tilespmem:s6], [sflag:$0x2] =	stream.strided.gather [hbm4b:s5+s10], $0x0, s11, s10, $0x38;
	[tilespmem:$0x8680] =	vst v63  }
0x100: {  	s8 =	sadd.s32 s3, s8;
	s9 =	sadd.s32 $0x900, s23  }
0x101: {  	[tilespmem:s6], [sflag:$0x2] =	stream.linear.gather [hbm4b:s5+s1], $0x40, $0x38;
	[tilespmem:$0x8680] =	vst v63  }
0x102: {  	_ = 	snop  }
0x103: {  	[tilespmem:s9], [sflag:$0x1] =	stream.strided.gather [hbm4b:s8+s10], $0x0, s11, s10, $0x38;
	[tilespmem:$0x8680] =	vst v63  }
0x104: {  	s2 =	sadd.s32 s4, s2;
	s5 =	sadd.s32 $0x4900, s23  }
0x105: {  	[tilespmem:s9], [sflag:$0x1] =	stream.linear.gather [hbm4b:s8+s1], $0x40, $0x38;
	[tilespmem:$0x8680] =	vst v63  }
0x106: {  	_ = 	snop  }
0x107: {  	[tilespmem:s5], [sflag:$0x2] =	stream.strided.gather [hbm4b:s2+s10], $0x0, s11, s10, $0x38;
	[tilespmem:$0x8680] =	vst v63  }
0x108: {  	s7 =	sadd.s32 s3, s7;
	s6 =	sadd.s32 $0x940, s23  }
0x109: {  	[tilespmem:s5], [sflag:$0x2] =	stream.linear.gather [hbm4b:s2+s1], $0x40, $0x38;
	[tilespmem:$0x8680] =	vst v63  }
0x10a: {  	_ = 	snop  }
0x10b: {  	[tilespmem:s6], [sflag:$0x1] =	stream.strided.gather [hbm4b:s7+s10], $0x0, s11, s10, $0x38;
	[tilespmem:$0x8680] =	vst v63  }
0x10c: {  	s2 =	sadd.s32 $0x4940, s23;
	s5 =	sadd.s32 s4, s31  }
0x10d: {  	[tilespmem:s6], [sflag:$0x1] =	stream.linear.gather [hbm4b:s7+s1], $0x40, $0x38;
	[tilespmem:$0x8680] =	vst v63  }
0x10e: {  	_ = 	snop  }
0x10f: {  	[tilespmem:s2], [sflag:$0x2] =	stream.strided.gather [hbm4b:s5+s10], $0x0, s11, s10, $0x38;
	[tilespmem:$0x8680] =	vst v63  }
0x110: {  	s6 =	sadd.s32 $0xA00, s23;
	s7 =	sadd.s32 s3, s14  }
0x111: {  	[tilespmem:s2], [sflag:$0x2] =	stream.linear.gather [hbm4b:s5+s1], $0x40, $0x38;
	[tilespmem:$0x8680] =	vst v63  }
0x112: {  	_ = 	snop  }
0x113: {  	[tilespmem:s6], [sflag:$0x1] =	stream.strided.gather [hbm4b:s7+s10], $0x0, s11, s10, $0x38;
	[tilespmem:$0x8680] =	vst v63  }
0x114: {  	s2 =	sadd.s32 $0x4A00, s23;
	s5 =	sadd.s32 s4, s30  }
0x115: {  	[tilespmem:s6], [sflag:$0x1] =	stream.linear.gather [hbm4b:s7+s1], $0x40, $0x38;
	[tilespmem:$0x8680] =	vst v63  }
0x116: {  	_ = 	snop  }
0x117: {  	[tilespmem:s2], [sflag:$0x2] =	stream.strided.gather [hbm4b:s5+s10], $0x0, s11, s10, $0x38;
	[tilespmem:$0x8680] =	vst v63  }
0x118: {  	s0 =	sadd.s32 s3, s0;
	s6 =	sadd.s32 $0xA40, s23  }
0x119: {  	[tilespmem:s2], [sflag:$0x2] =	stream.linear.gather [hbm4b:s5+s1], $0x40, $0x38;
	[tilespmem:$0x8680] =	vst v63  }
0x11a: {  	_ = 	snop  }
0x11b: {  	[tilespmem:s6], [sflag:$0x1] =	stream.strided.gather [hbm4b:s0+s10], $0x0, s11, s10, $0x38;
	[tilespmem:$0x8680] =	vst v63  }
0x11c: {  	s2 =	sadd.s32 $0x4A40, s23;
	s5 =	sadd.s32 s4, s29  }
0x11d: {  	[tilespmem:s6], [sflag:$0x1] =	stream.linear.gather [hbm4b:s0+s1], $0x40, $0x38;
	[tilespmem:$0x8680] =	vst v63  }
0x11e: {  	_ = 	snop  }
0x11f: {  	[tilespmem:s2], [sflag:$0x2] =	stream.strided.gather [hbm4b:s5+s10], $0x0, s11, s10, $0x38;
	[tilespmem:$0x8680] =	vst v63  }
0x120: {  	s0 =	sadd.s32 $0xB00, s23;
	s6 =	sadd.s32 s3, s26  }
0x121: {  	[tilespmem:s2], [sflag:$0x2] =	stream.linear.gather [hbm4b:s5+s1], $0x40, $0x38;
	[tilespmem:$0x8680] =	vst v63  }
0x122: {  	s2 =	sand.u32 $0x1FFFFFF0, s28  }
0x123: {  	[tilespmem:s0], [sflag:$0x1] =	stream.strided.gather [hbm4b:s6+s10], $0x0, s11, s10, $0x38;
	[tilespmem:$0x8680] =	vst v63  }
0x124: {  	s5 =	sadd.s32 $0x4B00, s23;
	s2 =	sadd.s32 s4, s2  }
0x125: {  	[tilespmem:s0], [sflag:$0x1] =	stream.linear.gather [hbm4b:s6+s1], $0x40, $0x38;
	[tilespmem:$0x8680] =	vst v63  }
0x126: {  	_ = 	snop  }
0x127: {  	[tilespmem:s5], [sflag:$0x2] =	stream.strided.gather [hbm4b:s2+s10], $0x0, s11, s10, $0x38;
	[tilespmem:$0x8680] =	vst v63  }
0x128: {  	s7 =	sadd.s32 s3, s25;
	s6 =	sadd.s32 $0xB40, s23  }
0x129: {  	[tilespmem:s5], [sflag:$0x2] =	stream.linear.gather [hbm4b:s2+s1], $0x40, $0x38;
	[tilespmem:$0x8680] =	vst v63  }
0x12a: {  	s2 =	sand.u32 $0x1FFFFFF0, s24  }
0x12b: {  	[tilespmem:s6], [sflag:$0x1] =	stream.strided.gather [hbm4b:s7+s10], $0x0, s11, s10, $0x38;
	[tilespmem:$0x8680] =	vst v63  }
.Ltmp0:
0x12c: {  	_ = 	snop;
	(pc) =	sbr.rel @p0 .LBB2_3-.Ltmp0, $4  }
0x12d: {  	s0 =	sadd.s32 $0x4B40, s23;
	s2 =	sadd.s32 s4, s2  }
0x12e: {  	[tilespmem:s6], [sflag:$0x1] =	stream.linear.gather [hbm4b:s7+s1], $0x40, $0x38;
	[tilespmem:$0x8680] =	vst v63  }
0x12f: {  	_ = 	snop  }
0x130: {  	[tilespmem:s0], [sflag:$0x2] =	stream.strided.gather [hbm4b:s2+s10], $0x0, s11, s10, $0x38;
	[tilespmem:$0x8680] =	vst v63  }
0x131: {  	[tilespmem:s0], [sflag:$0x2] =	stream.linear.gather [hbm4b:s2+s1], $0x40, $0x38;
	[tilespmem:$0x8680] =	vst v63  }
0x132: {  	_ =	swait.ge [sflag:s12], $0x40  }
0x133: {  	[sflag:s12] =	ssyncset.done $0x0  }
0x134: {  	[sflag:s12] =	ssyncadd.s32 $0xFFFFFFC0  }
0x135: {  	_ =	swait.ge [sflag:s13], $0x40  }
0x136: {  	[sflag:s13] =	ssyncset.done $0x0  }
0x137: {  	[sflag:s13] =	ssyncadd.s32 $0xFFFFFFC0  }
0x138: {  	_ =	swait.ge [sflag:s12], $0x40  }
0x139: {  	[sflag:s12] =	ssyncset.done $0x0  }
0x13a: {  	[sflag:s12] =	ssyncadd.s32 $0xFFFFFFC0  }
0x13b: {  	s2 =	simm.s32 $0x0;
	_ =	swait.ge [sflag:s13], $0x40  }
0x13c: {  	s20 =	simm.s32 $0x4500;
	s0 =	simm.s32 $0x500;
	[sflag:s13] =	ssyncset.done $0x0  }
.LBB2_5:
0x13d: {  	s2 =	sadd.s32 $0x2, s2;
	[sflag:s13] =	ssyncadd.s32 $0xFFFFFFC0  }
0x13e: {  	_ =	swait.ge [sflag:s12], $0x40;
	p0 =	slt.u32 s2, $0x7E  }
0x13f: {  	[sflag:s12] =	ssyncset.done $0x0  }
0x140: {  	[sflag:s12] =	ssyncadd.s32 $0xFFFFFFC0  }
0x141: {  	_ =	swait.ge [sflag:s13], $0x40  }
0x142: {  	[sflag:s13] =	ssyncset.done $0x0  }
0x143: {  	[sflag:s13] =	ssyncadd.s32 $0xFFFFFFC0  }
.Ltmp1:
0x144: {  	_ =	swait.ge [sflag:s12], $0x40;
	(pc) =	sbr.rel @p0 .LBB2_5-.Ltmp1, $4  }
0x145: {  	[sflag:s12] =	ssyncset.done $0x0  }
0x146: {  	[sflag:s12] =	ssyncadd.s32 $0xFFFFFFC0  }
0x147: {  	_ =	swait.ge [sflag:s13], $0x40  }
0x148: {  	[sflag:s13] =	ssyncset.done $0x0  }
0x149: {  	[sflag:s13] =	ssyncadd.s32 $0xFFFFFFC0  }
0x14a: {  	v0 =	vld [tilespmem:s0+$0xFFFFFF00]  }
0x14b: {  	v1 =	vld [tilespmem:s20+$0xFFFFFF00]  }
0x14c: {  	v2 =	vld [tilespmem:s20+$0xFFFFFF10]  }
0x14d: {  	v3 =	vld [tilespmem:s0+$0xFFFFFF10]  }
0x14e: {  	v4 =	vld [tilespmem:s20+$0xFFFFFF20]  }
0x14f: {  	v5 =	vld [tilespmem:s0+$0xFFFFFF20]  }
0x150: {  	v38 =	vld [tilespmem:s20+$0xFFFFFF30];
	v0 =	vmul.f32 v1, v0  }
0x151: {  	v6 =	vld [tilespmem:s0+$0xFFFFFF30]  }
0x152: {  	v2 =	vmul.f32 v2, v3;
	v0 =	vadd.f32 $0.0e+00, v0;
	_ =	sdelay $0x1  }
0x153: {  	v39 =	vmul.f32 v4, v5;
	v0 =	vadd.f32 v2, v0;
	_ =	sdelay $0x1  }
0x154: {  	v1 =	vmul.f32 v38, v6;
	v0 =	vadd.f32 v39, v0;
	_ =	sdelay $0x1  }
0x155: {  	v0 =	vadd.f32 v1, v0;
	_ =	sdelay $0x1  }
0x156: {  	(xrf2) =	vadd.scan.msk.f32 $0xffff, v0;
	_ =	sdelay $0x9  }
0x157: {  	v0, _, _ =	vpop (xrf2)  }
0x158: {  	[tilespmem:s17+$0xFFFFFFFD] =	vst.msk vm0, v0  }
0x159: {  	v0 =	vld [tilespmem:s0+$0xFFFFFF40]  }
0x15a: {  	v40 =	vld [tilespmem:s20+$0xFFFFFF40]  }
0x15b: {  	v41 =	vld [tilespmem:s20+$0xFFFFFF50]  }
0x15c: {  	v42 =	vld [tilespmem:s0+$0xFFFFFF50]  }
0x15d: {  	v43 =	vld [tilespmem:s20+$0xFFFFFF60]  }
0x15e: {  	v44 =	vld [tilespmem:s0+$0xFFFFFF60]  }
0x15f: {  	v45 =	vld [tilespmem:s20+$0xFFFFFF70];
	v0 =	vmul.f32 v40, v0  }
0x160: {  	v46 =	vld [tilespmem:s0+$0xFFFFFF70]  }
0x161: {  	v2 =	vmul.f32 v41, v42;
	v0 =	vadd.f32 $0.0e+00, v0;
	_ =	sdelay $0x1  }
0x162: {  	v47 =	vmul.f32 v43, v44;
	v0 =	vadd.f32 v2, v0;
	_ =	sdelay $0x1  }
0x163: {  	v1 =	vmul.f32 v45, v46;
	v0 =	vadd.f32 v47, v0;
	_ =	sdelay $0x1  }
0x164: {  	v0 =	vadd.f32 v1, v0;
	_ =	sdelay $0x1  }
0x165: {  	(xrf2) =	vadd.scan.msk.f32 $0xffff, v0;
	_ =	sdelay $0x9  }
0x166: {  	v0, _, _ =	vpop (xrf2)  }
0x167: {  	[tilespmem:s17+$0xFFFFFFFE] =	vst.msk vm0, v0  }
0x168: {  	v0 =	vld [tilespmem:s0+$0x0]  }
0x169: {  	v48 =	vld [tilespmem:s20+$0x0]  }
0x16a: {  	v49 =	vld [tilespmem:s20+$0x10]  }
0x16b: {  	v50 =	vld [tilespmem:s0+$0x10]  }
0x16c: {  	v51 =	vld [tilespmem:s20+$0x20]  }
0x16d: {  	v52 =	vld [tilespmem:s0+$0x20]  }
0x16e: {  	v53 =	vld [tilespmem:s20+$0x30];
	v0 =	vmul.f32 v48, v0  }
0x16f: {  	v54 =	vld [tilespmem:s0+$0x30]  }
0x170: {  	v2 =	vmul.f32 v49, v50;
	v0 =	vadd.f32 $0.0e+00, v0;
	_ =	sdelay $0x1  }
0x171: {  	v55 =	vmul.f32 v51, v52;
	v0 =	vadd.f32 v2, v0;
	_ =	sdelay $0x1  }
0x172: {  	v1 =	vmul.f32 v53, v54;
	v0 =	vadd.f32 v55, v0;
	_ =	sdelay $0x1  }
0x173: {  	v0 =	vadd.f32 v1, v0;
	_ =	sdelay $0x1  }
0x174: {  	(xrf2) =	vadd.scan.msk.f32 $0xffff, v0;
	_ =	sdelay $0x9  }
0x175: {  	v0, _, _ =	vpop (xrf2)  }
0x176: {  	[tilespmem:s17+$0xFFFFFFFF] =	vst.msk vm0, v0  }
0x177: {  	v0 =	vld [tilespmem:s0+$0x40]  }
0x178: {  	v56 =	vld [tilespmem:s20+$0x40]  }
0x179: {  	v57 =	vld [tilespmem:s0+$0x50]  }
0x17a: {  	v58 =	vld [tilespmem:s20+$0x50]  }
0x17b: {  	v59 =	vld [tilespmem:s0+$0x60]  }
0x17c: {  	v60 =	vld [tilespmem:s20+$0x60]  }
0x17d: {  	v61 =	vld [tilespmem:s0+$0x70];
	v0 =	vmul.f32 v56, v0  }
0x17e: {  	v62 =	vld [tilespmem:s20+$0x70]  }
0x17f: {  	v2 =	vmul.f32 v58, v57;
	v0 =	vadd.f32 $0.0e+00, v0;
	_ =	sdelay $0x1  }
0x180: {  	v63 =	vmul.f32 v60, v59;
	v0 =	vadd.f32 v2, v0;
	_ =	sdelay $0x1  }
0x181: {  	v1 =	vmul.f32 v62, v61;
	v0 =	vadd.f32 v63, v0;
	_ =	sdelay $0x1  }
0x182: {  	v0 =	vadd.f32 v1, v0;
	_ =	sdelay $0x1  }
0x183: {  	(xrf2) =	vadd.scan.msk.f32 $0xffff, v0;
	_ =	sdelay $0x4  }
0x184: {  	s21 =	simm.s32 $0x0  }
0x185: {  	s23 =	simm.s32 $0x700;
	s24 =	smov.u32 s17;
	s22 =	smov.u32 s17  }
.LBB2_7:
0x186: {  	s21 =	sadd.s32 $0x4, s21;
	s24 =	sadd.s32 $0x4, s24;
	s20 =	sadd.s32 $0x200, s20  }
0x187: {  	p0 =	slt.u32 s21, $0x7C;
	_ =	sdelay $0x1  }
0x188: {  	v0, _, _ =	vpop (xrf2)  }
0x189: {  	[tilespmem:s22+$0x0] =	vst.msk vm0, v0;
	s22 =	smov.u32 s24  }
0x18a: {  	v0 =	vld [tilespmem:s23+$0xFFFFFF00]  }
0x18b: {  	v1 =	vld [tilespmem:s20+$0xFFFFFF00]  }
0x18c: {  	v2 =	vld [tilespmem:s20+$0xFFFFFF10]  }
0x18d: {  	v3 =	vld [tilespmem:s23+$0xFFFFFF10]  }
0x18e: {  	v4 =	vld [tilespmem:s20+$0xFFFFFF20]  }
0x18f: {  	v5 =	vld [tilespmem:s23+$0xFFFFFF20]  }
0x190: {  	v0 =	vmul.f32 v1, v0;
	v1 =	vld [tilespmem:s20+$0xFFFFFF30]  }
0x191: {  	v6 =	vld [tilespmem:s23+$0xFFFFFF30]  }
0x192: {  	v0 =	vadd.f32 $0.0e+00, v0;
	v2 =	vmul.f32 v2, v3;
	_ =	sdelay $0x1  }
0x193: {  	v0 =	vadd.f32 v2, v0;
	v2 =	vmul.f32 v4, v5;
	_ =	sdelay $0x1  }
0x194: {  	v0 =	vadd.f32 v2, v0;
	v1 =	vmul.f32 v1, v6;
	_ =	sdelay $0x1  }
0x195: {  	v0 =	vadd.f32 v1, v0;
	_ =	sdelay $0x1  }
0x196: {  	(xrf2) =	vadd.scan.msk.f32 $0xffff, v0;
	_ =	sdelay $0x9  }
0x197: {  	v0, _, _ =	vpop (xrf2)  }
0x198: {  	[tilespmem:s24+$0xFFFFFFFD] =	vst.msk vm0, v0  }
0x199: {  	v0 =	vld [tilespmem:s20+$0xFFFFFF50]  }
0x19a: {  	v1 =	vld [tilespmem:s23+$0xFFFFFF40]  }
0x19b: {  	v2 =	vld [tilespmem:s20+$0xFFFFFF40];
	_ =	sdelay $0x1  }
0x19c: {  	v3 =	vld [tilespmem:s23+$0xFFFFFF50]  }
0x19d: {  	v4 =	vld [tilespmem:s20+$0xFFFFFF60]  }
0x19e: {  	v5 =	vld [tilespmem:s23+$0xFFFFFF60]  }
0x19f: {  	v1 =	vmul.f32 v2, v1;
	v2 =	vld [tilespmem:s20+$0xFFFFFF70]  }
0x1a0: {  	v6 =	vld [tilespmem:s23+$0xFFFFFF70]  }
0x1a1: {  	v1 =	vadd.f32 $0.0e+00, v1;
	v0 =	vmul.f32 v0, v3;
	_ =	sdelay $0x1  }
0x1a2: {  	v0 =	vadd.f32 v0, v1;
	v1 =	vmul.f32 v4, v5;
	_ =	sdelay $0x1  }
0x1a3: {  	v0 =	vadd.f32 v1, v0;
	v1 =	vmul.f32 v2, v6;
	_ =	sdelay $0x1  }
0x1a4: {  	v0 =	vadd.f32 v1, v0;
	_ =	sdelay $0x1  }
0x1a5: {  	(xrf2) =	vadd.scan.msk.f32 $0xffff, v0;
	_ =	sdelay $0x9  }
0x1a6: {  	v0, _, _ =	vpop (xrf2)  }
0x1a7: {  	[tilespmem:s24+$0xFFFFFFFE] =	vst.msk vm0, v0  }
0x1a8: {  	v0 =	vld [tilespmem:s23+$0x0]  }
0x1a9: {  	v1 =	vld [tilespmem:s20+$0x0]  }
0x1aa: {  	v2 =	vld [tilespmem:s20+$0x10]  }
0x1ab: {  	v3 =	vld [tilespmem:s23+$0x10]  }
0x1ac: {  	v4 =	vld [tilespmem:s20+$0x20]  }
0x1ad: {  	v5 =	vld [tilespmem:s23+$0x20]  }
0x1ae: {  	v0 =	vmul.f32 v1, v0;
	v1 =	vld [tilespmem:s20+$0x30]  }
0x1af: {  	v6 =	vld [tilespmem:s23+$0x30]  }
0x1b0: {  	v0 =	vadd.f32 $0.0e+00, v0;
	v2 =	vmul.f32 v2, v3;
	_ =	sdelay $0x1  }
0x1b1: {  	v0 =	vadd.f32 v2, v0;
	v2 =	vmul.f32 v4, v5;
	_ =	sdelay $0x1  }
0x1b2: {  	v0 =	vadd.f32 v2, v0;
	v1 =	vmul.f32 v1, v6;
	_ =	sdelay $0x1  }
0x1b3: {  	v0 =	vadd.f32 v1, v0;
	_ =	sdelay $0x1  }
0x1b4: {  	(xrf2) =	vadd.scan.msk.f32 $0xffff, v0;
	_ =	sdelay $0x9  }
0x1b5: {  	v0, _, _ =	vpop (xrf2)  }
0x1b6: {  	[tilespmem:s24+$0xFFFFFFFF] =	vst.msk vm0, v0  }
0x1b7: {  	v0 =	vld [tilespmem:s23+$0x40]  }
0x1b8: {  	v1 =	vld [tilespmem:s20+$0x40]  }
0x1b9: {  	v2 =	vld [tilespmem:s23+$0x50]  }
0x1ba: {  	v3 =	vld [tilespmem:s20+$0x50]  }
0x1bb: {  	v4 =	vld [tilespmem:s23+$0x60]  }
0x1bc: {  	v5 =	vld [tilespmem:s20+$0x60]  }
0x1bd: {  	v0 =	vmul.f32 v1, v0;
	v1 =	vld [tilespmem:s23+$0x70]  }
0x1be: {  	v6 =	vld [tilespmem:s20+$0x70]  }
0x1bf: {  	v0 =	vadd.f32 $0.0e+00, v0;
	v2 =	vmul.f32 v3, v2;
	_ =	sdelay $0x1  }
0x1c0: {  	v0 =	vadd.f32 v2, v0;
	v2 =	vmul.f32 v5, v4;
	_ =	sdelay $0x1  }
0x1c1: {  	v0 =	vadd.f32 v2, v0;
	v1 =	vmul.f32 v6, v1;
	_ =	sdelay $0x1  }
0x1c2: {  	v0 =	vadd.f32 v1, v0;
	_ =	sdelay $0x1  }
0x1c3: {  	(xrf2) =	vadd.scan.msk.f32 $0xffff, v0;
	_ =	sdelay $0x1  }
.Ltmp2:
0x1c4: {  	(pc) =	sbr.rel @p0 .LBB2_7-.Ltmp2, $2  }
0x1c5: {  	_ =	sdelay $0x2  }
0x1c6: {  	s23 =	sadd.s32 $0x200, s23  }
0x1c7: {  	s0 =	rddreg [dreg:$0xc]  }
0x1c8: {  	s0 =	sadd.s32 $0x1, s0  }
0x1c9: {  	p0 =	sne.s32 s0, $0x4  }
.Ltmp3:
0x1ca: {  	_ = 	snop;
	(pc) =	sbr.rel @p0 .LBB2_2-.Ltmp3, $4  }
0x1cb: {  	_ = 	snop  }
0x1cc: {  	s21 =	rddreg [dreg:$0xa]  }
0x1cd: {  	s31 =	rddreg [dreg:$0xb];
	v0, _, _ =	vpop (xrf2)  }
0x1ce: {  	s17 =	sadd.s32 $0x80, s17;
	s21 =	sadd.s32 $0x80, s21;
	[tilespmem:s22+$0x0] =	vst.msk vm0, v0;
	s22 =	sadd.s32 $0x80, s31  }
0x1cf: {  	s0 =	rddreg [dreg:$0x7];
	s2 =	simm.s32 $0x8400  }
0x1d0: {  	[hbm4b:s0+s1] =	stream.linear.scatter [tilespmem:s2], [sflag:$0x3], $0x200, $0x38;
	[tilespmem:$0x8680] =	vst v63  }
0x1d1: {  	s2 =	simm.s32 $0x3  }
0x1d2: {  	_ =	swait.ge [sflag:s2], $0x200  }
0x1d3: {  	s5 =	rddreg [dreg:$0x9]  }
0x1d4: {  	s31 =	rddreg [dreg:$0x8];
	s5 =	sadd.s32 $0x1, s5  }
0x1d5: {  	p0 =	sne.s32 s5, s31  }
.Ltmp4:
0x1d6: {  	_ = 	snop;
	(pc) =	sbr.rel @p0 .LBB2_1-.Ltmp4, $3  }
0x1d7: {  	_ =	sdelay $0x1  }
0x1d8: {  	[sflag:s2] =	ssyncset.done $0x0  }
0x1d9: {  	[sflag:s2] =	ssyncadd.s32 $0xFFFFFE00  }
0x1da: {  	_ =	sfence.sel $0x180000  }
0x1db: {  	[bflag:$0x0] =	sbarrier.arrive $0xFFFF  }
0x1dc: {  	_ =	strace $0x90000047  }
0x1dd: {  	s0 =	stileid.u32;
	[bflag:$0x2] =	sbarrier.arrive $0xFFFF  }
0x1de: {  	p0 =	sne.s32 s0, $0x0;
	s0 =	rddreg [dreg:$0x4]  }
0x1df: {  	s0 =	sadd.s32 @!p0 $0x100000, s0  }
0x1e0: {  	[sflag:s0] =	ssyncadd.tile.s32 @!p0 $0x1;
	_ =	shalt  }
.Lfunc_end2:
_tile_overlayer_lowered:
.L_overlay_start_2:
0x1e1: {  	(tag) =	ssettag $0x2  }
0x1e2: {  	s0 =	rddreg [dreg:$0x0];
	s2 =	stileid.u32  }
0x1e3: {  	s1 =	rddreg [dreg:$0x1];
	p0 =	sne.s32 s2, $0x0  }
0x1e4: {  	s3 =	rddreg [dreg:$0x2];
	[bflag:$0x3] =	sbarrier.arrive $0xFFFF;
	s2 =	simm.s32 @!p0 $0x1C03  }
0x1e5: {  	[timem:s3], [sflag:s2] =	dma.local @!p0 [hbm:s0], s1  }
0x1e6: {  	s0 =	simm.s32 @!p0 $0x3  }
0x1e7: {  	_ =	swait.ge @!p0 [sflag:s0], s1  }
0x1e8: {  	s1 =	ssub.s32 @!p0 $0x0, s1;
	[sflag:s0] =	ssyncset.done @!p0 $0x0  }
0x1e9: {  	[sflag:s0] =	ssyncadd.s32 @!p0 s1  }
0x1ea: {  	[bflag:$0x3] =	sbarrier.arrive $0xFFFF  }
0x1eb: {  	_ =	shalt  }

</sc_bundles>
